<compile_context>
chip_gen: v7x
topology: tpu7x:2x2x1
jax: 0.10.2.dev20260603
libtpu: 0.0.44.dev20260713+nightly
codegen_flags: <defaults>
</compile_context>

<pallas_src>
import math
import functools

import jax
import jax.numpy as jnp
from jax.experimental import pallas as pl
from jax.experimental.pallas import tpu as pltpu

IMG = 512
SIZES = (32.0, 64.0, 128.0, 256.0, 512.0)
RATIOS = (0.5, 1.0, 2.0)
PRE_NMS_TOP_N = 1000
POST_NMS_TOP_N = 1000
NMS_THRESH = 0.7
MIN_SIZE = 1e-2
BBOX_XFORM_CLIP = math.log(1000.0 / 16.0)



def _rpn_head_row_kernel(r0, r1, r2, wtap, headw, headb, convb, out):
    W = out.shape[1]
    rows = (r0[0, :, :], r1[0, :, :], r2[0, :, :])
    acc = jnp.zeros((W, 256), dtype=jnp.float32)
    for dy in range(3):
        for dx in range(3):
            acc = acc + jnp.dot(rows[dy][dx:dx + W, :], wtap[dy * 3 + dx, :, :],
                                preferred_element_type=jnp.float32)
    t = jnp.maximum(acc + convb[0, :], 0.0)
    out[0, :, :] = jnp.dot(t, headw[:, :], preferred_element_type=jnp.float32) + headb[0, :]


def _rpn_head_level(xpad, wtap, headw, headb, convb):
    Hp, Wp, _ = xpad.shape
    H, W = Hp - 2, Wp - 2
    row_spec = lambda off: pl.BlockSpec((1, Wp, 256), lambda i: (i + off, 0, 0))
    return pl.pallas_call(
        _rpn_head_row_kernel,
        grid=(H,),
        in_specs=[
            row_spec(0), row_spec(1), row_spec(2),
            pl.BlockSpec((9, 256, 256), lambda i: (0, 0, 0)),
            pl.BlockSpec((256, 128), lambda i: (0, 0)),
            pl.BlockSpec((1, 128), lambda i: (0, 0)),
            pl.BlockSpec((1, 256), lambda i: (0, 0)),
        ],
        out_specs=pl.BlockSpec((1, W, 128), lambda i: (i, 0, 0)),
        out_shape=jax.ShapeDtypeStruct((H, W, 128), jnp.float32),
    )(xpad, xpad, xpad, wtap, headw, headb, convb)



def _grid_anchors(H, W, stride, size):
    r = jnp.array(RATIOS, dtype=jnp.float32)
    h_r = jnp.sqrt(r)
    w_r = 1.0 / h_r
    ws = size * w_r
    hs = size * h_r
    base = jnp.stack([-ws / 2.0, -hs / 2.0, ws / 2.0, hs / 2.0], axis=1)
    sy = jnp.arange(H, dtype=jnp.float32) * stride
    sx = jnp.arange(W, dtype=jnp.float32) * stride
    yy, xx = jnp.meshgrid(sy, sx, indexing='ij')
    shifts = jnp.stack([xx.reshape(-1), yy.reshape(-1), xx.reshape(-1), yy.reshape(-1)], axis=1)
    return (shifts[:, None, :] + base[None, :, :]).reshape(-1, 4)


def _decode_boxes(deltas, anchors):
    w = anchors[..., 2] - anchors[..., 0]
    h = anchors[..., 3] - anchors[..., 1]
    cx = anchors[..., 0] + 0.5 * w
    cy = anchors[..., 1] + 0.5 * h
    dx, dy, dw, dh = deltas[..., 0], deltas[..., 1], deltas[..., 2], deltas[..., 3]
    dw = jnp.minimum(dw, BBOX_XFORM_CLIP)
    dh = jnp.minimum(dh, BBOX_XFORM_CLIP)
    pcx = dx * w + cx
    pcy = dy * h + cy
    pw = jnp.exp(dw) * w
    ph = jnp.exp(dh) * h
    return jnp.stack([pcx - 0.5 * pw, pcy - 0.5 * ph, pcx + 0.5 * pw, pcy + 0.5 * ph], axis=-1)


def _nms_image(boxes, scores, lvls):
    off = lvls.astype(jnp.float32)[:, None] * (IMG * 4.0)
    b = boxes + off
    order = jnp.argsort(-scores)
    bs = jax.lax.stop_gradient(b[order])
    ss = scores[order]
    area = (bs[:, 2] - bs[:, 0]) * (bs[:, 3] - bs[:, 1])
    lt = jnp.maximum(bs[:, None, :2], bs[None, :, :2])
    rb = jnp.minimum(bs[:, None, 2:], bs[None, :, 2:])
    wh = jnp.maximum(rb - lt, 0.0)
    inter = wh[..., 0] * wh[..., 1]
    iou = inter / (area[:, None] + area[None, :] - inter + 1e-9)
    N = boxes.shape[0]
    idxs = jnp.arange(N)

    def body(keep, i):
        sup = (iou[i] > NMS_THRESH) & (idxs > i) & keep[i]
        return keep & (~sup), None

    keep, _ = jax.lax.scan(body, jnp.ones((N,), dtype=bool), idxs)
    fs = jnp.where(keep, ss, -jnp.inf)
    top_s, top_i = jax.lax.top_k(fs, POST_NMS_TOP_N)
    fb = boxes[order[top_i]]
    return fb


def kernel(images, feat0, feat1, feat2, feat3, feat4, conv_w, conv_b, cls_w, cls_b, bbox_w, bbox_b):
    feats = [feat0, feat1, feat2, feat3, feat4]
    B = feats[0].shape[0]

    wtap = jnp.transpose(conv_w, (2, 3, 1, 0)).reshape(9, 256, 256)
    headw = jnp.zeros((256, 128), jnp.float32)
    headw = headw.at[:, 0:3].set(cls_w[:, :, 0, 0].T)
    headw = headw.at[:, 3:15].set(bbox_w[:, :, 0, 0].T)
    headb = jnp.zeros((128,), jnp.float32)
    headb = headb.at[0:3].set(cls_b).at[3:15].set(bbox_b)
    headb = headb.reshape(1, 128)
    convb = conv_b.reshape(1, 256)

    all_scores, all_boxes, all_lvls = [], [], []
    for lvl, f in enumerate(feats):
        H, W = f.shape[2], f.shape[3]
        stride = IMG // H
        x = jnp.transpose(f[0], (1, 2, 0))
        xpad = jnp.pad(x, ((1, 1), (1, 1), (0, 0)))
        head = _rpn_head_level(xpad, wtap, headw, headb, convb)
        obj = head[..., 0:3].reshape(1, -1)
        dl = head[..., 3:15].reshape(1, -1, 4)
        anchors = _grid_anchors(H, W, float(stride), SIZES[lvl])
        props = _decode_boxes(dl, anchors[None, :, :])
        k = min(PRE_NMS_TOP_N, obj.shape[1])
        top_v, top_i = jax.lax.top_k(obj, k)
        pb = jnp.take_along_axis(props, top_i[..., None], axis=1)
        all_scores.append(top_v)
        all_boxes.append(pb)
        all_lvls.append(jnp.full((B, k), lvl, dtype=jnp.int32))
    scores = jnp.concatenate(all_scores, axis=1)
    boxes = jnp.concatenate(all_boxes, axis=1)
    lvls = jnp.concatenate(all_lvls, axis=1)
    boxes = jnp.clip(boxes, 0.0, float(IMG))
    probs = jax.nn.sigmoid(scores)
    ws = boxes[..., 2] - boxes[..., 0]
    hs = boxes[..., 3] - boxes[..., 1]
    valid = (ws >= MIN_SIZE) & (hs >= MIN_SIZE)
    probs = jnp.where(valid, probs, -1e9)
    fb = jax.vmap(_nms_image)(boxes, probs, lvls)
    return fb

# --- scband reference (transcript-rebuilt; emitter-appended) ---
"""Pipeline reference for scband-rpn-83339545412146 (READ-ONLY COPY).

The authoritative reference and input builder live on the scoring server;
editing this copy changes nothing except your own understanding.
"""

import math
import jax
import jax.numpy as jnp
import numpy as np

IMG = 512
SIZES = (32.0, 64.0, 128.0, 256.0, 512.0)
RATIOS = (0.5, 1.0, 2.0)
PRE_NMS_TOP_N = 1000
POST_NMS_TOP_N = 1000
NMS_THRESH = 0.7
MIN_SIZE = 1e-2
BBOX_XFORM_CLIP = math.log(1000.0 / 16.0)


def conv2d(x, w, b, pad):
    y = jax.lax.conv_general_dilated(x, w, window_strides=(1, 1), padding=pad,
                                     dimension_numbers=('NCHW', 'OIHW', 'NCHW'))
    return y + b[None, :, None, None]


def grid_anchors(H, W, stride, size):
    r = jnp.array(RATIOS, dtype=jnp.float32)
    h_r = jnp.sqrt(r)
    w_r = 1.0 / h_r
    ws = size * w_r
    hs = size * h_r
    base = jnp.stack([-ws / 2.0, -hs / 2.0, ws / 2.0, hs / 2.0], axis=1)
    sy = jnp.arange(H, dtype=jnp.float32) * stride
    sx = jnp.arange(W, dtype=jnp.float32) * stride
    yy, xx = jnp.meshgrid(sy, sx, indexing='ij')
    shifts = jnp.stack([xx.reshape(-1), yy.reshape(-1), xx.reshape(-1), yy.reshape(-1)], axis=1)
    return (shifts[:, None, :] + base[None, :, :]).reshape(-1, 4)


def decode_boxes(deltas, anchors):
    w = anchors[..., 2] - anchors[..., 0]
    h = anchors[..., 3] - anchors[..., 1]
    cx = anchors[..., 0] + 0.5 * w
    cy = anchors[..., 1] + 0.5 * h
    dx, dy, dw, dh = deltas[..., 0], deltas[..., 1], deltas[..., 2], deltas[..., 3]
    dw = jnp.minimum(dw, BBOX_XFORM_CLIP)
    dh = jnp.minimum(dh, BBOX_XFORM_CLIP)
    pcx = dx * w + cx
    pcy = dy * h + cy
    pw = jnp.exp(dw) * w
    ph = jnp.exp(dh) * h
    return jnp.stack([pcx - 0.5 * pw, pcy - 0.5 * ph, pcx + 0.5 * pw, pcy + 0.5 * ph], axis=-1)


def nms_image(boxes, scores, lvls):
    # batched_nms trick: offset boxes per FPN level so NMS is within-level
    off = lvls.astype(jnp.float32)[:, None] * (IMG * 4.0)
    b = boxes + off
    order = jnp.argsort(-scores)
    bs = jax.lax.stop_gradient(b[order])
    ss = scores[order]
    area = (bs[:, 2] - bs[:, 0]) * (bs[:, 3] - bs[:, 1])
    lt = jnp.maximum(bs[:, None, :2], bs[None, :, :2])
    rb = jnp.minimum(bs[:, None, 2:], bs[None, :, 2:])
    wh = jnp.maximum(rb - lt, 0.0)
    inter = wh[..., 0] * wh[..., 1]
    iou = inter / (area[:, None] + area[None, :] - inter + 1e-9)
    N = boxes.shape[0]
    idxs = jnp.arange(N)

    def body(keep, i):
        sup = (iou[i] > NMS_THRESH) & (idxs > i) & keep[i]
        return keep & (~sup), None

    keep, _ = jax.lax.scan(body, jnp.ones((N,), dtype=bool), idxs)
    fs = jnp.where(keep, ss, -jnp.inf)
    top_s, top_i = jax.lax.top_k(fs, POST_NMS_TOP_N)
    fb = boxes[order[top_i]]
    return fb


def rpn_forward(images, feats, conv_w, conv_b, cls_w, cls_b, bbox_w, bbox_b):
    B = feats[0].shape[0]
    all_scores, all_boxes, all_lvls = [], [], []
    for lvl, f in enumerate(feats):
        H, W = f.shape[2], f.shape[3]
        stride = IMG // H
        t = jax.nn.relu(conv2d(f, conv_w, conv_b, ((1, 1), (1, 1))))
        logits = conv2d(t, cls_w, cls_b, ((0, 0), (0, 0)))
        deltas = conv2d(t, bbox_w, bbox_b, ((0, 0), (0, 0)))
        A = logits.shape[1]
        obj = jnp.transpose(logits, (0, 2, 3, 1)).reshape(B, -1)
        dl = jnp.transpose(deltas.reshape(B, A, 4, H, W), (0, 3, 4, 1, 2)).reshape(B, -1, 4)
        anchors = grid_anchors(H, W, float(stride), SIZES[lvl])
        props = decode_boxes(dl, anchors[None, :, :])
        k = min(PRE_NMS_TOP_N, obj.shape[1])
        top_v, top_i = jax.lax.top_k(obj, k)
        pb = jnp.take_along_axis(props, top_i[..., None], axis=1)
        all_scores.append(top_v)
        all_boxes.append(pb)
        all_lvls.append(jnp.full((B, k), lvl, dtype=jnp.int32))
    scores = jnp.concatenate(all_scores, axis=1)
    boxes = jnp.concatenate(all_boxes, axis=1)
    lvls = jnp.concatenate(all_lvls, axis=1)
    boxes = jnp.clip(boxes, 0.0, float(IMG))
    probs = jax.nn.sigmoid(scores)
    ws = boxes[..., 2] - boxes[..., 0]
    hs = boxes[..., 3] - boxes[..., 1]
    valid = (ws >= MIN_SIZE) & (hs >= MIN_SIZE)
    probs = jnp.where(valid, probs, -1e9)
    fb = jax.vmap(nms_image)(boxes, probs, lvls)
    return fb


def setup_inputs(seed: int = 0) -> dict:
    key = jax.random.key(seed)
    ks = jax.random.split(key, 16)
    inp = {}
    inp['images'] = jax.random.normal(ks[0], (1, 3, 512, 512), dtype=jnp.float32)
    shapes = [(1, 256, 128, 128), (1, 256, 64, 64), (1, 256, 32, 32), (1, 256, 16, 16), (1, 256, 8, 8)]
    for i, s in enumerate(shapes):
        inp['feat%d' % i] = jax.random.normal(ks[1 + i], s, dtype=jnp.float32)
    inp['conv_w'] = jax.random.normal(ks[6], (256, 256, 3, 3), dtype=jnp.float32) * 0.02
    inp['conv_b'] = jnp.zeros((256,), dtype=jnp.float32)
    inp['cls_w'] = jax.random.normal(ks[7], (3, 256, 1, 1), dtype=jnp.float32) * 0.02
    inp['cls_b'] = jnp.zeros((3,), dtype=jnp.float32)
    inp['bbox_w'] = jax.random.normal(ks[8], (12, 256, 1, 1), dtype=jnp.float32) * 0.02
    inp['bbox_b'] = jnp.zeros((12,), dtype=jnp.float32)
    return inp


def reference(images, feat0, feat1, feat2, feat3, feat4, conv_w, conv_b, cls_w, cls_b, bbox_w, bbox_b):
    feats = [feat0, feat1, feat2, feat3, feat4]
    return rpn_forward(images, feats, conv_w, conv_b, cls_w, cls_b, bbox_w, bbox_b)

if __name__ == "__main__":
    import jax
    _d = setup_inputs()
    print(jax.jit(kernel)(*tuple(_d.values())))

</pallas_src>

<mosaic_0001>
module attributes {stable_mosaic.version = 14 : i64} {
  func.func @_rpn_head_row_kernel(%arg0: i32, %arg1: memref<1x66x256xf32, #tpu.memory_space<vmem>>, %arg2: memref<1x66x256xf32, #tpu.memory_space<vmem>>, %arg3: memref<1x66x256xf32, #tpu.memory_space<vmem>>, %arg4: memref<9x256x256xf32, #tpu.memory_space<vmem>>, %arg5: memref<256x128xf32, #tpu.memory_space<vmem>>, %arg6: memref<1x128xf32, #tpu.memory_space<vmem>>, %arg7: memref<1x256xf32, #tpu.memory_space<vmem>>, %arg8: memref<1x64x128xf32, #tpu.memory_space<vmem>>) attributes {dimension_semantics = [#tpu.dimension_semantics<arbitrary>], iteration_bounds = array<i64: 64>, scalar_prefetch = 0 : i64, scratch_operands = 0 : i64, tpu.core_type = #tpu.core_type<tc>, window_params = [{transform_indices = @transform_0, window_bounds = array<i64: 1, 66, 256>}, {transform_indices = @transform_1, window_bounds = array<i64: 1, 66, 256>}, {transform_indices = @transform_2, window_bounds = array<i64: 1, 66, 256>}, {pipeline_mode = #tpu.pipeline_mode<synchronous>, transform_indices = @transform_3, window_bounds = array<i64: 9, 256, 256>}, {pipeline_mode = #tpu.pipeline_mode<synchronous>, transform_indices = @transform_4, window_bounds = array<i64: 256, 128>}, {pipeline_mode = #tpu.pipeline_mode<synchronous>, transform_indices = @transform_5, window_bounds = array<i64: 1, 128>}, {pipeline_mode = #tpu.pipeline_mode<synchronous>, transform_indices = @transform_6, window_bounds = array<i64: 1, 256>}, {transform_indices = @transform_7, window_bounds = array<i64: 1, 64, 128>}]} {
    %get3A = arith.constant 0 : index
    %get3A_0 = arith.constant 0 : index
    %get3A_1 = arith.constant 0 : index
    %get3A_2 = vector.load %arg1[%get3A, %get3A_0, %get3A_1] : memref<1x66x256xf32, #tpu.memory_space<vmem>>, vector<1x66x256xf32>
    %get3A_3 = vector.shape_cast %get3A_2 : vector<1x66x256xf32> to vector<66x256xf32>
    %get3A_4 = arith.constant 0 : index
    %get3A_5 = arith.constant 0 : index
    %get3A_6 = arith.constant 0 : index
    %get3A_7 = vector.load %arg2[%get3A_4, %get3A_5, %get3A_6] : memref<1x66x256xf32, #tpu.memory_space<vmem>>, vector<1x66x256xf32>
    %get3A_8 = vector.shape_cast %get3A_7 : vector<1x66x256xf32> to vector<66x256xf32>
    %get3A_9 = arith.constant 0 : index
    %get3A_10 = arith.constant 0 : index
    %get3A_11 = arith.constant 0 : index
    %get3A_12 = vector.load %arg3[%get3A_9, %get3A_10, %get3A_11] : memref<1x66x256xf32, #tpu.memory_space<vmem>>, vector<1x66x256xf32>
    %get3A_13 = vector.shape_cast %get3A_12 : vector<1x66x256xf32> to vector<66x256xf32>
    %broadcast_in_dim3A = arith.constant 0.000000e+00 : f32
    %broadcast_in_dim3A_14 = vector.broadcast %broadcast_in_dim3A : f32 to vector<64x256xf32>
    %slice3A = vector.extract_strided_slice %get3A_3 {offsets = [0, 0], sizes = [64, 256], strides = [1, 1]} : vector<66x256xf32> to vector<64x256xf32>
    %get3A_15 = arith.constant 0 : index
    %get3A_16 = arith.constant 0 : index
    %get3A_17 = arith.constant 0 : index
    %get3A_18 = vector.load %arg4[%get3A_15, %get3A_16, %get3A_17] : memref<9x256x256xf32, #tpu.memory_space<vmem>>, vector<1x256x256xf32>
    %get3A_19 = vector.shape_cast %get3A_18 : vector<1x256x256xf32> to vector<256x256xf32>
    %dot_general3A = arith.constant dense<0.000000e+00> : vector<64x256xf32>
    %dot_general3A_20 = tpu.matmul %slice3A, %get3A_19, %dot_general3A {dimension_numbers = #tpu.dot_dimension_numbers<[1], [0], [0], [1], [0, 0, 1, 1], [], []>, transpose_lhs_hint = false} : vector<64x256xf32>, vector<256x256xf32>, vector<64x256xf32> -> vector<64x256xf32>
    %add3A = arith.addf %broadcast_in_dim3A_14, %dot_general3A_20 : vector<64x256xf32>
    %slice3A_21 = vector.extract_strided_slice %get3A_3 {offsets = [1, 0], sizes = [64, 256], strides = [1, 1]} : vector<66x256xf32> to vector<64x256xf32>
    %get3A_22 = arith.constant 1 : index
    %get3A_23 = arith.constant 0 : index
    %get3A_24 = arith.constant 0 : index
    %get3A_25 = vector.load %arg4[%get3A_22, %get3A_23, %get3A_24] : memref<9x256x256xf32, #tpu.memory_space<vmem>>, vector<1x256x256xf32>
    %get3A_26 = vector.shape_cast %get3A_25 : vector<1x256x256xf32> to vector<256x256xf32>
    %dot_general3A_27 = arith.constant dense<0.000000e+00> : vector<64x256xf32>
    %dot_general3A_28 = tpu.matmul %slice3A_21, %get3A_26, %dot_general3A_27 {dimension_numbers = #tpu.dot_dimension_numbers<[1], [0], [0], [1], [0, 0, 1, 1], [], []>, transpose_lhs_hint = false} : vector<64x256xf32>, vector<256x256xf32>, vector<64x256xf32> -> vector<64x256xf32>
    %add3A_29 = arith.addf %add3A, %dot_general3A_28 : vector<64x256xf32>
    %slice3A_30 = vector.extract_strided_slice %get3A_3 {offsets = [2, 0], sizes = [64, 256], strides = [1, 1]} : vector<66x256xf32> to vector<64x256xf32>
    %get3A_31 = arith.constant 2 : index
    %get3A_32 = arith.constant 0 : index
    %get3A_33 = arith.constant 0 : index
    %get3A_34 = vector.load %arg4[%get3A_31, %get3A_32, %get3A_33] : memref<9x256x256xf32, #tpu.memory_space<vmem>>, vector<1x256x256xf32>
    %get3A_35 = vector.shape_cast %get3A_34 : vector<1x256x256xf32> to vector<256x256xf32>
    %dot_general3A_36 = arith.constant dense<0.000000e+00> : vector<64x256xf32>
    %dot_general3A_37 = tpu.matmul %slice3A_30, %get3A_35, %dot_general3A_36 {dimension_numbers = #tpu.dot_dimension_numbers<[1], [0], [0], [1], [0, 0, 1, 1], [], []>, transpose_lhs_hint = false} : vector<64x256xf32>, vector<256x256xf32>, vector<64x256xf32> -> vector<64x256xf32>
    %add3A_38 = arith.addf %add3A_29, %dot_general3A_37 : vector<64x256xf32>
    %slice3A_39 = vector.extract_strided_slice %get3A_8 {offsets = [0, 0], sizes = [64, 256], strides = [1, 1]} : vector<66x256xf32> to vector<64x256xf32>
    %get3A_40 = arith.constant 3 : index
    %get3A_41 = arith.constant 0 : index
    %get3A_42 = arith.constant 0 : index
    %get3A_43 = vector.load %arg4[%get3A_40, %get3A_41, %get3A_42] : memref<9x256x256xf32, #tpu.memory_space<vmem>>, vector<1x256x256xf32>
    %get3A_44 = vector.shape_cast %get3A_43 : vector<1x256x256xf32> to vector<256x256xf32>
    %dot_general3A_45 = arith.constant dense<0.000000e+00> : vector<64x256xf32>
    %dot_general3A_46 = tpu.matmul %slice3A_39, %get3A_44, %dot_general3A_45 {dimension_numbers = #tpu.dot_dimension_numbers<[1], [0], [0], [1], [0, 0, 1, 1], [], []>, transpose_lhs_hint = false} : vector<64x256xf32>, vector<256x256xf32>, vector<64x256xf32> -> vector<64x256xf32>
    %add3A_47 = arith.addf %add3A_38, %dot_general3A_46 : vector<64x256xf32>
    %slice3A_48 = vector.extract_strided_slice %get3A_8 {offsets = [1, 0], sizes = [64, 256], strides = [1, 1]} : vector<66x256xf32> to vector<64x256xf32>
    %get3A_49 = arith.constant 4 : index
    %get3A_50 = arith.constant 0 : index
    %get3A_51 = arith.constant 0 : index
    %get3A_52 = vector.load %arg4[%get3A_49, %get3A_50, %get3A_51] : memref<9x256x256xf32, #tpu.memory_space<vmem>>, vector<1x256x256xf32>
    %get3A_53 = vector.shape_cast %get3A_52 : vector<1x256x256xf32> to vector<256x256xf32>
    %dot_general3A_54 = arith.constant dense<0.000000e+00> : vector<64x256xf32>
    %dot_general3A_55 = tpu.matmul %slice3A_48, %get3A_53, %dot_general3A_54 {dimension_numbers = #tpu.dot_dimension_numbers<[1], [0], [0], [1], [0, 0, 1, 1], [], []>, transpose_lhs_hint = false} : vector<64x256xf32>, vector<256x256xf32>, vector<64x256xf32> -> vector<64x256xf32>
    %add3A_56 = arith.addf %add3A_47, %dot_general3A_55 : vector<64x256xf32>
    %slice3A_57 = vector.extract_strided_slice %get3A_8 {offsets = [2, 0], sizes = [64, 256], strides = [1, 1]} : vector<66x256xf32> to vector<64x256xf32>
    %get3A_58 = arith.constant 5 : index
    %get3A_59 = arith.constant 0 : index
    %get3A_60 = arith.constant 0 : index
    %get3A_61 = vector.load %arg4[%get3A_58, %get3A_59, %get3A_60] : memref<9x256x256xf32, #tpu.memory_space<vmem>>, vector<1x256x256xf32>
    %get3A_62 = vector.shape_cast %get3A_61 : vector<1x256x256xf32> to vector<256x256xf32>
    %dot_general3A_63 = arith.constant dense<0.000000e+00> : vector<64x256xf32>
    %dot_general3A_64 = tpu.matmul %slice3A_57, %get3A_62, %dot_general3A_63 {dimension_numbers = #tpu.dot_dimension_numbers<[1], [0], [0], [1], [0, 0, 1, 1], [], []>, transpose_lhs_hint = false} : vector<64x256xf32>, vector<256x256xf32>, vector<64x256xf32> -> vector<64x256xf32>
    %add3A_65 = arith.addf %add3A_56, %dot_general3A_64 : vector<64x256xf32>
    %slice3A_66 = vector.extract_strided_slice %get3A_13 {offsets = [0, 0], sizes = [64, 256], strides = [1, 1]} : vector<66x256xf32> to vector<64x256xf32>
    %get3A_67 = arith.constant 6 : index
    %get3A_68 = arith.constant 0 : index
    %get3A_69 = arith.constant 0 : index
    %get3A_70 = vector.load %arg4[%get3A_67, %get3A_68, %get3A_69] : memref<9x256x256xf32, #tpu.memory_space<vmem>>, vector<1x256x256xf32>
    %get3A_71 = vector.shape_cast %get3A_70 : vector<1x256x256xf32> to vector<256x256xf32>
    %dot_general3A_72 = arith.constant dense<0.000000e+00> : vector<64x256xf32>
    %dot_general3A_73 = tpu.matmul %slice3A_66, %get3A_71, %dot_general3A_72 {dimension_numbers = #tpu.dot_dimension_numbers<[1], [0], [0], [1], [0, 0, 1, 1], [], []>, transpose_lhs_hint = false} : vector<64x256xf32>, vector<256x256xf32>, vector<64x256xf32> -> vector<64x256xf32>
    %add3A_74 = arith.addf %add3A_65, %dot_general3A_73 : vector<64x256xf32>
    %slice3A_75 = vector.extract_strided_slice %get3A_13 {offsets = [1, 0], sizes = [64, 256], strides = [1, 1]} : vector<66x256xf32> to vector<64x256xf32>
    %get3A_76 = arith.constant 7 : index
    %get3A_77 = arith.constant 0 : index
    %get3A_78 = arith.constant 0 : index
    %get3A_79 = vector.load %arg4[%get3A_76, %get3A_77, %get3A_78] : memref<9x256x256xf32, #tpu.memory_space<vmem>>, vector<1x256x256xf32>
    %get3A_80 = vector.shape_cast %get3A_79 : vector<1x256x256xf32> to vector<256x256xf32>
    %dot_general3A_81 = arith.constant dense<0.000000e+00> : vector<64x256xf32>
    %dot_general3A_82 = tpu.matmul %slice3A_75, %get3A_80, %dot_general3A_81 {dimension_numbers = #tpu.dot_dimension_numbers<[1], [0], [0], [1], [0, 0, 1, 1], [], []>, transpose_lhs_hint = false} : vector<64x256xf32>, vector<256x256xf32>, vector<64x256xf32> -> vector<64x256xf32>
    %add3A_83 = arith.addf %add3A_74, %dot_general3A_82 : vector<64x256xf32>
    %slice3A_84 = vector.extract_strided_slice %get3A_13 {offsets = [2, 0], sizes = [64, 256], strides = [1, 1]} : vector<66x256xf32> to vector<64x256xf32>
    %get3A_85 = arith.constant 8 : index
    %get3A_86 = arith.constant 0 : index
    %get3A_87 = arith.constant 0 : index
    %get3A_88 = vector.load %arg4[%get3A_85, %get3A_86, %get3A_87] : memref<9x256x256xf32, #tpu.memory_space<vmem>>, vector<1x256x256xf32>
    %get3A_89 = vector.shape_cast %get3A_88 : vector<1x256x256xf32> to vector<256x256xf32>
    %dot_general3A_90 = arith.constant dense<0.000000e+00> : vector<64x256xf32>
    %dot_general3A_91 = tpu.matmul %slice3A_84, %get3A_89, %dot_general3A_90 {dimension_numbers = #tpu.dot_dimension_numbers<[1], [0], [0], [1], [0, 0, 1, 1], [], []>, transpose_lhs_hint = false} : vector<64x256xf32>, vector<256x256xf32>, vector<64x256xf32> -> vector<64x256xf32>
    %add3A_92 = arith.addf %add3A_83, %dot_general3A_91 : vector<64x256xf32>
    %get3A_93 = arith.constant 0 : index
    %get3A_94 = arith.constant 0 : index
    %get3A_95 = vector.load %arg7[%get3A_93, %get3A_94] : memref<1x256xf32, #tpu.memory_space<vmem>>, vector<1x256xf32>
    %get3A_96 = vector.shape_cast %get3A_95 : vector<1x256xf32> to vector<256xf32>
    %broadcast_in_dim3A_97 = vector.shape_cast %get3A_96 : vector<256xf32> to vector<1x256xf32>
    %add3A_98 = vector.broadcast %broadcast_in_dim3A_97 : vector<1x256xf32> to vector<64x256xf32>
    %add3A_99 = arith.addf %add3A_92, %add3A_98 : vector<64x256xf32>
    %max3A = arith.constant 0.000000e+00 : f32
    %max3A_100 = vector.broadcast %max3A : f32 to vector<64x256xf32>
    %max3A_101 = arith.maximumf %add3A_99, %max3A_100 : vector<64x256xf32>
    %get3A_102 = arith.constant 0 : index
    %get3A_103 = arith.constant 0 : index
    %get3A_104 = vector.load %arg5[%get3A_102, %get3A_103] : memref<256x128xf32, #tpu.memory_space<vmem>>, vector<256x128xf32>
    %dot_general3A_105 = arith.constant dense<0.000000e+00> : vector<64x128xf32>
    %dot_general3A_106 = tpu.matmul %max3A_101, %get3A_104, %dot_general3A_105 {dimension_numbers = #tpu.dot_dimension_numbers<[1], [0], [0], [1], [0, 0, 1, 1], [], []>, transpose_lhs_hint = false} : vector<64x256xf32>, vector<256x128xf32>, vector<64x128xf32> -> vector<64x128xf32>
    %get3A_107 = arith.constant 0 : index
    %get3A_108 = arith.constant 0 : index
    %get3A_109 = vector.load %arg6[%get3A_107, %get3A_108] : memref<1x128xf32, #tpu.memory_space<vmem>>, vector<1x128xf32>
    %get3A_110 = vector.shape_cast %get3A_109 : vector<1x128xf32> to vector<128xf32>
    %broadcast_in_dim3A_111 = vector.shape_cast %get3A_110 : vector<128xf32> to vector<1x128xf32>
    %add3A_112 = vector.broadcast %broadcast_in_dim3A_111 : vector<1x128xf32> to vector<64x128xf32>
    %add3A_113 = arith.addf %dot_general3A_106, %add3A_112 : vector<64x128xf32>
    %swap3A = arith.constant 0 : index
    %swap3A_114 = arith.constant 0 : index
    %swap3A_115 = arith.constant 0 : index
    %swap3A_116 = vector.load %arg8[%swap3A, %swap3A_114, %swap3A_115] : memref<1x64x128xf32, #tpu.memory_space<vmem>>, vector<1x64x128xf32>
    %swap3A_117 = vector.shape_cast %swap3A_116 : vector<1x64x128xf32> to vector<64x128xf32>
    %swap3A_118 = vector.shape_cast %add3A_113 : vector<64x128xf32> to vector<1x64x128xf32>
    tpu.vector_store %arg8[%swap3A, %swap3A_114, %swap3A_115], %swap3A_118 {strides = array<i32>} : memref<1x64x128xf32, #tpu.memory_space<vmem>>, vector<1x64x128xf32>,
    return
  }
  func.func @transform_0(%arg0: i32) -> (i32, i32, i32) {
    %add3A = arith.constant 0 : i32
    %add3A_0 = arith.addi %arg0, %add3A : i32
    %c0_i32 = arith.constant 0 : i32
    %c0_i32_1 = arith.constant 0 : i32
    %c0_i32_2 = arith.constant 0 : i32
    return %add3A_0, %c0_i32, %c0_i32_1 : i32, i32, i32
  }
  func.func @transform_1(%arg0: i32) -> (i32, i32, i32) {
    %add3A = arith.constant 1 : i32
    %add3A_0 = arith.addi %arg0, %add3A : i32
    %c0_i32 = arith.constant 0 : i32
    %c0_i32_1 = arith.constant 0 : i32
    %c0_i32_2 = arith.constant 0 : i32
    return %add3A_0, %c0_i32, %c0_i32_1 : i32, i32, i32
  }
  func.func @transform_2(%arg0: i32) -> (i32, i32, i32) {
    %add3A = arith.constant 2 : i32
    %add3A_0 = arith.addi %arg0, %add3A : i32
    %c0_i32 = arith.constant 0 : i32
    %c0_i32_1 = arith.constant 0 : i32
    %c0_i32_2 = arith.constant 0 : i32
    return %add3A_0, %c0_i32, %c0_i32_1 : i32, i32, i32
  }
  func.func @transform_3(%arg0: i32) -> (i32, i32, i32) {
    %c0_i32 = arith.constant 0 : i32
    %c0_i32_0 = arith.constant 0 : i32
    %c0_i32_1 = arith.constant 0 : i32
    %c0_i32_2 = arith.constant 0 : i32
    return %c0_i32, %c0_i32_0, %c0_i32_1 : i32, i32, i32
  }
  func.func @transform_4(%arg0: i32) -> (i32, i32) {
    %c0_i32 = arith.constant 0 : i32
    %c0_i32_0 = arith.constant 0 : i32
    %c0_i32_1 = arith.constant 0 : i32
    return %c0_i32, %c0_i32_0 : i32, i32
  }
  func.func @transform_5(%arg0: i32) -> (i32, i32) {
    %c0_i32 = arith.constant 0 : i32
    %c0_i32_0 = arith.constant 0 : i32
    %c0_i32_1 = arith.constant 0 : i32
    return %c0_i32, %c0_i32_0 : i32, i32
  }
  func.func @transform_6(%arg0: i32) -> (i32, i32) {
    %c0_i32 = arith.constant 0 : i32
    %c0_i32_0 = arith.constant 0 : i32
    %c0_i32_1 = arith.constant 0 : i32
    return %c0_i32, %c0_i32_0 : i32, i32
  }
  func.func @transform_7(%arg0: i32) -> (i32, i32, i32) {
    %c0_i32 = arith.constant 0 : i32
    %c0_i32_0 = arith.constant 0 : i32
    %c0_i32_1 = arith.constant 0 : i32
    return %arg0, %c0_i32, %c0_i32_0 : i32, i32, i32
  }
}

module attributes {stable_mosaic.version = 14 : i64} {
  func.func @_rpn_head_row_kernel(%arg0: i32, %arg1: memref<1x34x256xf32, #tpu.memory_space<vmem>>, %arg2: memref<1x34x256xf32, #tpu.memory_space<vmem>>, %arg3: memref<1x34x256xf32, #tpu.memory_space<vmem>>, %arg4: memref<9x256x256xf32, #tpu.memory_space<vmem>>, %arg5: memref<256x128xf32, #tpu.memory_space<vmem>>, %arg6: memref<1x128xf32, #tpu.memory_space<vmem>>, %arg7: memref<1x256xf32, #tpu.memory_space<vmem>>, %arg8: memref<1x32x128xf32, #tpu.memory_space<vmem>>) attributes {dimension_semantics = [#tpu.dimension_semantics<arbitrary>], iteration_bounds = array<i64: 32>, scalar_prefetch = 0 : i64, scratch_operands = 0 : i64, tpu.core_type = #tpu.core_type<tc>, window_params = [{transform_indices = @transform_0, window_bounds = array<i64: 1, 34, 256>}, {transform_indices = @transform_1, window_bounds = array<i64: 1, 34, 256>}, {transform_indices = @transform_2, window_bounds = array<i64: 1, 34, 256>}, {pipeline_mode = #tpu.pipeline_mode<synchronous>, transform_indices = @transform_3, window_bounds = array<i64: 9, 256, 256>}, {pipeline_mode = #tpu.pipeline_mode<synchronous>, transform_indices = @transform_4, window_bounds = array<i64: 256, 128>}, {pipeline_mode = #tpu.pipeline_mode<synchronous>, transform_indices = @transform_5, window_bounds = array<i64: 1, 128>}, {pipeline_mode = #tpu.pipeline_mode<synchronous>, transform_indices = @transform_6, window_bounds = array<i64: 1, 256>}, {transform_indices = @transform_7, window_bounds = array<i64: 1, 32, 128>}]} {
    %get3A = arith.constant 0 : index
    %get3A_0 = arith.constant 0 : index
    %get3A_1 = arith.constant 0 : index
    %get3A_2 = vector.load %arg1[%get3A, %get3A_0, %get3A_1] : memref<1x34x256xf32, #tpu.memory_space<vmem>>, vector<1x34x256xf32>
    %get3A_3 = vector.shape_cast %get3A_2 : vector<1x34x256xf32> to vector<34x256xf32>
    %get3A_4 = arith.constant 0 : index
    %get3A_5 = arith.constant 0 : index
    %get3A_6 = arith.constant 0 : index
    %get3A_7 = vector.load %arg2[%get3A_4, %get3A_5, %get3A_6] : memref<1x34x256xf32, #tpu.memory_space<vmem>>, vector<1x34x256xf32>
    %get3A_8 = vector.shape_cast %get3A_7 : vector<1x34x256xf32> to vector<34x256xf32>
    %get3A_9 = arith.constant 0 : index
    %get3A_10 = arith.constant 0 : index
    %get3A_11 = arith.constant 0 : index
    %get3A_12 = vector.load %arg3[%get3A_9, %get3A_10, %get3A_11] : memref<1x34x256xf32, #tpu.memory_space<vmem>>, vector<1x34x256xf32>
    %get3A_13 = vector.shape_cast %get3A_12 : vector<1x34x256xf32> to vector<34x256xf32>
    %broadcast_in_dim3A = arith.constant 0.000000e+00 : f32
    %broadcast_in_dim3A_14 = vector.broadcast %broadcast_in_dim3A : f32 to vector<32x256xf32>
    %slice3A = vector.extract_strided_slice %get3A_3 {offsets = [0, 0], sizes = [32, 256], strides = [1, 1]} : vector<34x256xf32> to vector<32x256xf32>
    %get3A_15 = arith.constant 0 : index
    %get3A_16 = arith.constant 0 : index
    %get3A_17 = arith.constant 0 : index
    %get3A_18 = vector.load %arg4[%get3A_15, %get3A_16, %get3A_17] : memref<9x256x256xf32, #tpu.memory_space<vmem>>, vector<1x256x256xf32>
    %get3A_19 = vector.shape_cast %get3A_18 : vector<1x256x256xf32> to vector<256x256xf32>
    %dot_general3A = arith.constant dense<0.000000e+00> : vector<32x256xf32>
    %dot_general3A_20 = tpu.matmul %slice3A, %get3A_19, %dot_general3A {dimension_numbers = #tpu.dot_dimension_numbers<[1], [0], [0], [1], [0, 0, 1, 1], [], []>, transpose_lhs_hint = false} : vector<32x256xf32>, vector<256x256xf32>, vector<32x256xf32> -> vector<32x256xf32>
    %add3A = arith.addf %broadcast_in_dim3A_14, %dot_general3A_20 : vector<32x256xf32>
    %slice3A_21 = vector.extract_strided_slice %get3A_3 {offsets = [1, 0], sizes = [32, 256], strides = [1, 1]} : vector<34x256xf32> to vector<32x256xf32>
    %get3A_22 = arith.constant 1 : index
    %get3A_23 = arith.constant 0 : index
    %get3A_24 = arith.constant 0 : index
    %get3A_25 = vector.load %arg4[%get3A_22, %get3A_23, %get3A_24] : memref<9x256x256xf32, #tpu.memory_space<vmem>>, vector<1x256x256xf32>
    %get3A_26 = vector.shape_cast %get3A_25 : vector<1x256x256xf32> to vector<256x256xf32>
    %dot_general3A_27 = arith.constant dense<0.000000e+00> : vector<32x256xf32>
    %dot_general3A_28 = tpu.matmul %slice3A_21, %get3A_26, %dot_general3A_27 {dimension_numbers = #tpu.dot_dimension_numbers<[1], [0], [0], [1], [0, 0, 1, 1], [], []>, transpose_lhs_hint = false} : vector<32x256xf32>, vector<256x256xf32>, vector<32x256xf32> -> vector<32x256xf32>
    %add3A_29 = arith.addf %add3A, %dot_general3A_28 : vector<32x256xf32>
    %slice3A_30 = vector.extract_strided_slice %get3A_3 {offsets = [2, 0], sizes = [32, 256], strides = [1, 1]} : vector<34x256xf32> to vector<32x256xf32>
    %get3A_31 = arith.constant 2 : index
    %get3A_32 = arith.constant 0 : index
    %get3A_33 = arith.constant 0 : index
    %get3A_34 = vector.load %arg4[%get3A_31, %get3A_32, %get3A_33] : memref<9x256x256xf32, #tpu.memory_space<vmem>>, vector<1x256x256xf32>
    %get3A_35 = vector.shape_cast %get3A_34 : vector<1x256x256xf32> to vector<256x256xf32>
    %dot_general3A_36 = arith.constant dense<0.000000e+00> : vector<32x256xf32>
    %dot_general3A_37 = tpu.matmul %slice3A_30, %get3A_35, %dot_general3A_36 {dimension_numbers = #tpu.dot_dimension_numbers<[1], [0], [0], [1], [0, 0, 1, 1], [], []>, transpose_lhs_hint = false} : vector<32x256xf32>, vector<256x256xf32>, vector<32x256xf32> -> vector<32x256xf32>
    %add3A_38 = arith.addf %add3A_29, %dot_general3A_37 : vector<32x256xf32>
    %slice3A_39 = vector.extract_strided_slice %get3A_8 {offsets = [0, 0], sizes = [32, 256], strides = [1, 1]} : vector<34x256xf32> to vector<32x256xf32>
    %get3A_40 = arith.constant 3 : index
    %get3A_41 = arith.constant 0 : index
    %get3A_42 = arith.constant 0 : index
    %get3A_43 = vector.load %arg4[%get3A_40, %get3A_41, %get3A_42] : memref<9x256x256xf32, #tpu.memory_space<vmem>>, vector<1x256x256xf32>
    %get3A_44 = vector.shape_cast %get3A_43 : vector<1x256x256xf32> to vector<256x256xf32>
    %dot_general3A_45 = arith.constant dense<0.000000e+00> : vector<32x256xf32>
    %dot_general3A_46 = tpu.matmul %slice3A_39, %get3A_44, %dot_general3A_45 {dimension_numbers = #tpu.dot_dimension_numbers<[1], [0], [0], [1], [0, 0, 1, 1], [], []>, transpose_lhs_hint = false} : vector<32x256xf32>, vector<256x256xf32>, vector<32x256xf32> -> vector<32x256xf32>
    %add3A_47 = arith.addf %add3A_38, %dot_general3A_46 : vector<32x256xf32>
    %slice3A_48 = vector.extract_strided_slice %get3A_8 {offsets = [1, 0], sizes = [32, 256], strides = [1, 1]} : vector<34x256xf32> to vector<32x256xf32>
    %get3A_49 = arith.constant 4 : index
    %get3A_50 = arith.constant 0 : index
    %get3A_51 = arith.constant 0 : index
    %get3A_52 = vector.load %arg4[%get3A_49, %get3A_50, %get3A_51] : memref<9x256x256xf32, #tpu.memory_space<vmem>>, vector<1x256x256xf32>
    %get3A_53 = vector.shape_cast %get3A_52 : vector<1x256x256xf32> to vector<256x256xf32>
    %dot_general3A_54 = arith.constant dense<0.000000e+00> : vector<32x256xf32>
    %dot_general3A_55 = tpu.matmul %slice3A_48, %get3A_53, %dot_general3A_54 {dimension_numbers = #tpu.dot_dimension_numbers<[1], [0], [0], [1], [0, 0, 1, 1], [], []>, transpose_lhs_hint = false} : vector<32x256xf32>, vector<256x256xf32>, vector<32x256xf32> -> vector<32x256xf32>
    %add3A_56 = arith.addf %add3A_47, %dot_general3A_55 : vector<32x256xf32>
    %slice3A_57 = vector.extract_strided_slice %get3A_8 {offsets = [2, 0], sizes = [32, 256], strides = [1, 1]} : vector<34x256xf32> to vector<32x256xf32>
    %get3A_58 = arith.constant 5 : index
    %get3A_59 = arith.constant 0 : index
    %get3A_60 = arith.constant 0 : index
    %get3A_61 = vector.load %arg4[%get3A_58, %get3A_59, %get3A_60] : memref<9x256x256xf32, #tpu.memory_space<vmem>>, vector<1x256x256xf32>
    %get3A_62 = vector.shape_cast %get3A_61 : vector<1x256x256xf32> to vector<256x256xf32>
    %dot_general3A_63 = arith.constant dense<0.000000e+00> : vector<32x256xf32>
    %dot_general3A_64 = tpu.matmul %slice3A_57, %get3A_62, %dot_general3A_63 {dimension_numbers = #tpu.dot_dimension_numbers<[1], [0], [0], [1], [0, 0, 1, 1], [], []>, transpose_lhs_hint = false} : vector<32x256xf32>, vector<256x256xf32>, vector<32x256xf32> -> vector<32x256xf32>
    %add3A_65 = arith.addf %add3A_56, %dot_general3A_64 : vector<32x256xf32>
    %slice3A_66 = vector.extract_strided_slice %get3A_13 {offsets = [0, 0], sizes = [32, 256], strides = [1, 1]} : vector<34x256xf32> to vector<32x256xf32>
    %get3A_67 = arith.constant 6 : index
    %get3A_68 = arith.constant 0 : index
    %get3A_69 = arith.constant 0 : index
    %get3A_70 = vector.load %arg4[%get3A_67, %get3A_68, %get3A_69] : memref<9x256x256xf32, #tpu.memory_space<vmem>>, vector<1x256x256xf32>
    %get3A_71 = vector.shape_cast %get3A_70 : vector<1x256x256xf32> to vector<256x256xf32>
    %dot_general3A_72 = arith.constant dense<0.000000e+00> : vector<32x256xf32>
    %dot_general3A_73 = tpu.matmul %slice3A_66, %get3A_71, %dot_general3A_72 {dimension_numbers = #tpu.dot_dimension_numbers<[1], [0], [0], [1], [0, 0, 1, 1], [], []>, transpose_lhs_hint = false} : vector<32x256xf32>, vector<256x256xf32>, vector<32x256xf32> -> vector<32x256xf32>
    %add3A_74 = arith.addf %add3A_65, %dot_general3A_73 : vector<32x256xf32>
    %slice3A_75 = vector.extract_strided_slice %get3A_13 {offsets = [1, 0], sizes = [32, 256], strides = [1, 1]} : vector<34x256xf32> to vector<32x256xf32>
    %get3A_76 = arith.constant 7 : index
    %get3A_77 = arith.constant 0 : index
    %get3A_78 = arith.constant 0 : index
    %get3A_79 = vector.load %arg4[%get3A_76, %get3A_77, %get3A_78] : memref<9x256x256xf32, #tpu.memory_space<vmem>>, vector<1x256x256xf32>
    %get3A_80 = vector.shape_cast %get3A_79 : vector<1x256x256xf32> to vector<256x256xf32>
    %dot_general3A_81 = arith.constant dense<0.000000e+00> : vector<32x256xf32>
    %dot_general3A_82 = tpu.matmul %slice3A_75, %get3A_80, %dot_general3A_81 {dimension_numbers = #tpu.dot_dimension_numbers<[1], [0], [0], [1], [0, 0, 1, 1], [], []>, transpose_lhs_hint = false} : vector<32x256xf32>, vector<256x256xf32>, vector<32x256xf32> -> vector<32x256xf32>
    %add3A_83 = arith.addf %add3A_74, %dot_general3A_82 : vector<32x256xf32>
    %slice3A_84 = vector.extract_strided_slice %get3A_13 {offsets = [2, 0], sizes = [32, 256], strides = [1, 1]} : vector<34x256xf32> to vector<32x256xf32>
    %get3A_85 = arith.constant 8 : index
    %get3A_86 = arith.constant 0 : index
    %get3A_87 = arith.constant 0 : index
    %get3A_88 = vector.load %arg4[%get3A_85, %get3A_86, %get3A_87] : memref<9x256x256xf32, #tpu.memory_space<vmem>>, vector<1x256x256xf32>
    %get3A_89 = vector.shape_cast %get3A_88 : vector<1x256x256xf32> to vector<256x256xf32>
    %dot_general3A_90 = arith.constant dense<0.000000e+00> : vector<32x256xf32>
    %dot_general3A_91 = tpu.matmul %slice3A_84, %get3A_89, %dot_general3A_90 {dimension_numbers = #tpu.dot_dimension_numbers<[1], [0], [0], [1], [0, 0, 1, 1], [], []>, transpose_lhs_hint = false} : vector<32x256xf32>, vector<256x256xf32>, vector<32x256xf32> -> vector<32x256xf32>
    %add3A_92 = arith.addf %add3A_83, %dot_general3A_91 : vector<32x256xf32>
    %get3A_93 = arith.constant 0 : index
    %get3A_94 = arith.constant 0 : index
    %get3A_95 = vector.load %arg7[%get3A_93, %get3A_94] : memref<1x256xf32, #tpu.memory_space<vmem>>, vector<1x256xf32>
    %get3A_96 = vector.shape_cast %get3A_95 : vector<1x256xf32> to vector<256xf32>
    %broadcast_in_dim3A_97 = vector.shape_cast %get3A_96 : vector<256xf32> to vector<1x256xf32>
    %add3A_98 = vector.broadcast %broadcast_in_dim3A_97 : vector<1x256xf32> to vector<32x256xf32>
    %add3A_99 = arith.addf %add3A_92, %add3A_98 : vector<32x256xf32>
    %max3A = arith.constant 0.000000e+00 : f32
    %max3A_100 = vector.broadcast %max3A : f32 to vector<32x256xf32>
    %max3A_101 = arith.maximumf %add3A_99, %max3A_100 : vector<32x256xf32>
    %get3A_102 = arith.constant 0 : index
    %get3A_103 = arith.constant 0 : index
    %get3A_104 = vector.load %arg5[%get3A_102, %get3A_103] : memref<256x128xf32, #tpu.memory_space<vmem>>, vector<256x128xf32>
    %dot_general3A_105 = arith.constant dense<0.000000e+00> : vector<32x128xf32>
    %dot_general3A_106 = tpu.matmul %max3A_101, %get3A_104, %dot_general3A_105 {dimension_numbers = #tpu.dot_dimension_numbers<[1], [0], [0], [1], [0, 0, 1, 1], [], []>, transpose_lhs_hint = false} : vector<32x256xf32>, vector<256x128xf32>, vector<32x128xf32> -> vector<32x128xf32>
    %get3A_107 = arith.constant 0 : index
    %get3A_108 = arith.constant 0 : index
    %get3A_109 = vector.load %arg6[%get3A_107, %get3A_108] : memref<1x128xf32, #tpu.memory_space<vmem>>, vector<1x128xf32>
    %get3A_110 = vector.shape_cast %get3A_109 : vector<1x128xf32> to vector<128xf32>
    %broadcast_in_dim3A_111 = vector.shape_cast %get3A_110 : vector<128xf32> to vector<1x128xf32>
    %add3A_112 = vector.broadcast %broadcast_in_dim3A_111 : vector<1x128xf32> to vector<32x128xf32>
    %add3A_113 = arith.addf %dot_general3A_106, %add3A_112 : vector<32x128xf32>
    %swap3A = arith.constant 0 : index
    %swap3A_114 = arith.constant 0 : index
    %swap3A_115 = arith.constant 0 : index
    %swap3A_116 = vector.load %arg8[%swap3A, %swap3A_114, %swap3A_115] : memref<1x32x128xf32, #tpu.memory_space<vmem>>, vector<1x32x128xf32>
    %swap3A_117 = vector.shape_cast %swap3A_116 : vector<1x32x128xf32> to vector<32x128xf32>
    %swap3A_118 = vector.shape_cast %add3A_113 : vector<32x128xf32> to vector<1x32x128xf32>
    tpu.vector_store %arg8[%swap3A, %swap3A_114, %swap3A_115], %swap3A_118 {strides = array<i32>} : memref<1x32x128xf32, #tpu.memory_space<vmem>>, vector<1x32x128xf32>,
    return
  }
  func.func @transform_0(%arg0: i32) -> (i32, i32, i32) {
    %add3A = arith.constant 0 : i32
    %add3A_0 = arith.addi %arg0, %add3A : i32
    %c0_i32 = arith.constant 0 : i32
    %c0_i32_1 = arith.constant 0 : i32
    %c0_i32_2 = arith.constant 0 : i32
    return %add3A_0, %c0_i32, %c0_i32_1 : i32, i32, i32
  }
  func.func @transform_1(%arg0: i32) -> (i32, i32, i32) {
    %add3A = arith.constant 1 : i32
    %add3A_0 = arith.addi %arg0, %add3A : i32
    %c0_i32 = arith.constant 0 : i32
    %c0_i32_1 = arith.constant 0 : i32
    %c0_i32_2 = arith.constant 0 : i32
    return %add3A_0, %c0_i32, %c0_i32_1 : i32, i32, i32
  }
  func.func @transform_2(%arg0: i32) -> (i32, i32, i32) {
    %add3A = arith.constant 2 : i32
    %add3A_0 = arith.addi %arg0, %add3A : i32
    %c0_i32 = arith.constant 0 : i32
    %c0_i32_1 = arith.constant 0 : i32
    %c0_i32_2 = arith.constant 0 : i32
    return %add3A_0, %c0_i32, %c0_i32_1 : i32, i32, i32
  }
  func.func @transform_3(%arg0: i32) -> (i32, i32, i32) {
    %c0_i32 = arith.constant 0 : i32
    %c0_i32_0 = arith.constant 0 : i32
    %c0_i32_1 = arith.constant 0 : i32
    %c0_i32_2 = arith.constant 0 : i32
    return %c0_i32, %c0_i32_0, %c0_i32_1 : i32, i32, i32
  }
  func.func @transform_4(%arg0: i32) -> (i32, i32) {
    %c0_i32 = arith.constant 0 : i32
    %c0_i32_0 = arith.constant 0 : i32
    %c0_i32_1 = arith.constant 0 : i32
    return %c0_i32, %c0_i32_0 : i32, i32
  }
  func.func @transform_5(%arg0: i32) -> (i32, i32) {
    %c0_i32 = arith.constant 0 : i32
    %c0_i32_0 = arith.constant 0 : i32
    %c0_i32_1 = arith.constant 0 : i32
    return %c0_i32, %c0_i32_0 : i32, i32
  }
  func.func @transform_6(%arg0: i32) -> (i32, i32) {
    %c0_i32 = arith.constant 0 : i32
    %c0_i32_0 = arith.constant 0 : i32
    %c0_i32_1 = arith.constant 0 : i32
    return %c0_i32, %c0_i32_0 : i32, i32
  }
  func.func @transform_7(%arg0: i32) -> (i32, i32, i32) {
    %c0_i32 = arith.constant 0 : i32
    %c0_i32_0 = arith.constant 0 : i32
    %c0_i32_1 = arith.constant 0 : i32
    return %arg0, %c0_i32, %c0_i32_0 : i32, i32, i32
  }
}

module attributes {stable_mosaic.version = 14 : i64} {
  func.func @_rpn_head_row_kernel(%arg0: i32, %arg1: memref<1x18x256xf32, #tpu.memory_space<vmem>>, %arg2: memref<1x18x256xf32, #tpu.memory_space<vmem>>, %arg3: memref<1x18x256xf32, #tpu.memory_space<vmem>>, %arg4: memref<9x256x256xf32, #tpu.memory_space<vmem>>, %arg5: memref<256x128xf32, #tpu.memory_space<vmem>>, %arg6: memref<1x128xf32, #tpu.memory_space<vmem>>, %arg7: memref<1x256xf32, #tpu.memory_space<vmem>>, %arg8: memref<1x16x128xf32, #tpu.memory_space<vmem>>) attributes {dimension_semantics = [#tpu.dimension_semantics<arbitrary>], iteration_bounds = array<i64: 16>, scalar_prefetch = 0 : i64, scratch_operands = 0 : i64, tpu.core_type = #tpu.core_type<tc>, window_params = [{transform_indices = @transform_0, window_bounds = array<i64: 1, 18, 256>}, {transform_indices = @transform_1, window_bounds = array<i64: 1, 18, 256>}, {transform_indices = @transform_2, window_bounds = array<i64: 1, 18, 256>}, {pipeline_mode = #tpu.pipeline_mode<synchronous>, transform_indices = @transform_3, window_bounds = array<i64: 9, 256, 256>}, {pipeline_mode = #tpu.pipeline_mode<synchronous>, transform_indices = @transform_4, window_bounds = array<i64: 256, 128>}, {pipeline_mode = #tpu.pipeline_mode<synchronous>, transform_indices = @transform_5, window_bounds = array<i64: 1, 128>}, {pipeline_mode = #tpu.pipeline_mode<synchronous>, transform_indices = @transform_6, window_bounds = array<i64: 1, 256>}, {transform_indices = @transform_7, window_bounds = array<i64: 1, 16, 128>}]} {
    %get3A = arith.constant 0 : index
    %get3A_0 = arith.constant 0 : index
    %get3A_1 = arith.constant 0 : index
    %get3A_2 = vector.load %arg1[%get3A, %get3A_0, %get3A_1] : memref<1x18x256xf32, #tpu.memory_space<vmem>>, vector<1x18x256xf32>
    %get3A_3 = vector.shape_cast %get3A_2 : vector<1x18x256xf32> to vector<18x256xf32>
    %get3A_4 = arith.constant 0 : index
    %get3A_5 = arith.constant 0 : index
    %get3A_6 = arith.constant 0 : index
    %get3A_7 = vector.load %arg2[%get3A_4, %get3A_5, %get3A_6] : memref<1x18x256xf32, #tpu.memory_space<vmem>>, vector<1x18x256xf32>
    %get3A_8 = vector.shape_cast %get3A_7 : vector<1x18x256xf32> to vector<18x256xf32>
    %get3A_9 = arith.constant 0 : index
    %get3A_10 = arith.constant 0 : index
    %get3A_11 = arith.constant 0 : index
    %get3A_12 = vector.load %arg3[%get3A_9, %get3A_10, %get3A_11] : memref<1x18x256xf32, #tpu.memory_space<vmem>>, vector<1x18x256xf32>
    %get3A_13 = vector.shape_cast %get3A_12 : vector<1x18x256xf32> to vector<18x256xf32>
    %broadcast_in_dim3A = arith.constant 0.000000e+00 : f32
    %broadcast_in_dim3A_14 = vector.broadcast %broadcast_in_dim3A : f32 to vector<16x256xf32>
    %slice3A = vector.extract_strided_slice %get3A_3 {offsets = [0, 0], sizes = [16, 256], strides = [1, 1]} : vector<18x256xf32> to vector<16x256xf32>
    %get3A_15 = arith.constant 0 : index
    %get3A_16 = arith.constant 0 : index
    %get3A_17 = arith.constant 0 : index
    %get3A_18 = vector.load %arg4[%get3A_15, %get3A_16, %get3A_17] : memref<9x256x256xf32, #tpu.memory_space<vmem>>, vector<1x256x256xf32>
    %get3A_19 = vector.shape_cast %get3A_18 : vector<1x256x256xf32> to vector<256x256xf32>
    %dot_general3A = arith.constant dense<0.000000e+00> : vector<16x256xf32>
    %dot_general3A_20 = tpu.matmul %slice3A, %get3A_19, %dot_general3A {dimension_numbers = #tpu.dot_dimension_numbers<[1], [0], [0], [1], [0, 0, 1, 1], [], []>, transpose_lhs_hint = false} : vector<16x256xf32>, vector<256x256xf32>, vector<16x256xf32> -> vector<16x256xf32>
    %add3A = arith.addf %broadcast_in_dim3A_14, %dot_general3A_20 : vector<16x256xf32>
    %slice3A_21 = vector.extract_strided_slice %get3A_3 {offsets = [1, 0], sizes = [16, 256], strides = [1, 1]} : vector<18x256xf32> to vector<16x256xf32>
    %get3A_22 = arith.constant 1 : index
    %get3A_23 = arith.constant 0 : index
    %get3A_24 = arith.constant 0 : index
    %get3A_25 = vector.load %arg4[%get3A_22, %get3A_23, %get3A_24] : memref<9x256x256xf32, #tpu.memory_space<vmem>>, vector<1x256x256xf32>
    %get3A_26 = vector.shape_cast %get3A_25 : vector<1x256x256xf32> to vector<256x256xf32>
    %dot_general3A_27 = arith.constant dense<0.000000e+00> : vector<16x256xf32>
    %dot_general3A_28 = tpu.matmul %slice3A_21, %get3A_26, %dot_general3A_27 {dimension_numbers = #tpu.dot_dimension_numbers<[1], [0], [0], [1], [0, 0, 1, 1], [], []>, transpose_lhs_hint = false} : vector<16x256xf32>, vector<256x256xf32>, vector<16x256xf32> -> vector<16x256xf32>
    %add3A_29 = arith.addf %add3A, %dot_general3A_28 : vector<16x256xf32>
    %slice3A_30 = vector.extract_strided_slice %get3A_3 {offsets = [2, 0], sizes = [16, 256], strides = [1, 1]} : vector<18x256xf32> to vector<16x256xf32>
    %get3A_31 = arith.constant 2 : index
    %get3A_32 = arith.constant 0 : index
    %get3A_33 = arith.constant 0 : index
    %get3A_34 = vector.load %arg4[%get3A_31, %get3A_32, %get3A_33] : memref<9x256x256xf32, #tpu.memory_space<vmem>>, vector<1x256x256xf32>
    %get3A_35 = vector.shape_cast %get3A_34 : vector<1x256x256xf32> to vector<256x256xf32>
    %dot_general3A_36 = arith.constant dense<0.000000e+00> : vector<16x256xf32>
    %dot_general3A_37 = tpu.matmul %slice3A_30, %get3A_35, %dot_general3A_36 {dimension_numbers = #tpu.dot_dimension_numbers<[1], [0], [0], [1], [0, 0, 1, 1], [], []>, transpose_lhs_hint = false} : vector<16x256xf32>, vector<256x256xf32>, vector<16x256xf32> -> vector<16x256xf32>
    %add3A_38 = arith.addf %add3A_29, %dot_general3A_37 : vector<16x256xf32>
    %slice3A_39 = vector.extract_strided_slice %get3A_8 {offsets = [0, 0], sizes = [16, 256], strides = [1, 1]} : vector<18x256xf32> to vector<16x256xf32>
    %get3A_40 = arith.constant 3 : index
    %get3A_41 = arith.constant 0 : index
    %get3A_42 = arith.constant 0 : index
    %get3A_43 = vector.load %arg4[%get3A_40, %get3A_41, %get3A_42] : memref<9x256x256xf32, #tpu.memory_space<vmem>>, vector<1x256x256xf32>
    %get3A_44 = vector.shape_cast %get3A_43 : vector<1x256x256xf32> to vector<256x256xf32>
    %dot_general3A_45 = arith.constant dense<0.000000e+00> : vector<16x256xf32>
    %dot_general3A_46 = tpu.matmul %slice3A_39, %get3A_44, %dot_general3A_45 {dimension_numbers = #tpu.dot_dimension_numbers<[1], [0], [0], [1], [0, 0, 1, 1], [], []>, transpose_lhs_hint = false} : vector<16x256xf32>, vector<256x256xf32>, vector<16x256xf32> -> vector<16x256xf32>
    %add3A_47 = arith.addf %add3A_38, %dot_general3A_46 : vector<16x256xf32>
    %slice3A_48 = vector.extract_strided_slice %get3A_8 {offsets = [1, 0], sizes = [16, 256], strides = [1, 1]} : vector<18x256xf32> to vector<16x256xf32>
    %get3A_49 = arith.constant 4 : index
    %get3A_50 = arith.constant 0 : index
    %get3A_51 = arith.constant 0 : index
    %get3A_52 = vector.load %arg4[%get3A_49, %get3A_50, %get3A_51] : memref<9x256x256xf32, #tpu.memory_space<vmem>>, vector<1x256x256xf32>
    %get3A_53 = vector.shape_cast %get3A_52 : vector<1x256x256xf32> to vector<256x256xf32>
    %dot_general3A_54 = arith.constant dense<0.000000e+00> : vector<16x256xf32>
    %dot_general3A_55 = tpu.matmul %slice3A_48, %get3A_53, %dot_general3A_54 {dimension_numbers = #tpu.dot_dimension_numbers<[1], [0], [0], [1], [0, 0, 1, 1], [], []>, transpose_lhs_hint = false} : vector<16x256xf32>, vector<256x256xf32>, vector<16x256xf32> -> vector<16x256xf32>
    %add3A_56 = arith.addf %add3A_47, %dot_general3A_55 : vector<16x256xf32>
    %slice3A_57 = vector.extract_strided_slice %get3A_8 {offsets = [2, 0], sizes = [16, 256], strides = [1, 1]} : vector<18x256xf32> to vector<16x256xf32>
    %get3A_58 = arith.constant 5 : index
    %get3A_59 = arith.constant 0 : index
    %get3A_60 = arith.constant 0 : index
    %get3A_61 = vector.load %arg4[%get3A_58, %get3A_59, %get3A_60] : memref<9x256x256xf32, #tpu.memory_space<vmem>>, vector<1x256x256xf32>
    %get3A_62 = vector.shape_cast %get3A_61 : vector<1x256x256xf32> to vector<256x256xf32>
    %dot_general3A_63 = arith.constant dense<0.000000e+00> : vector<16x256xf32>
    %dot_general3A_64 = tpu.matmul %slice3A_57, %get3A_62, %dot_general3A_63 {dimension_numbers = #tpu.dot_dimension_numbers<[1], [0], [0], [1], [0, 0, 1, 1], [], []>, transpose_lhs_hint = false} : vector<16x256xf32>, vector<256x256xf32>, vector<16x256xf32> -> vector<16x256xf32>
    %add3A_65 = arith.addf %add3A_56, %dot_general3A_64 : vector<16x256xf32>
    %slice3A_66 = vector.extract_strided_slice %get3A_13 {offsets = [0, 0], sizes = [16, 256], strides = [1, 1]} : vector<18x256xf32> to vector<16x256xf32>
    %get3A_67 = arith.constant 6 : index
    %get3A_68 = arith.constant 0 : index
    %get3A_69 = arith.constant 0 : index
    %get3A_70 = vector.load %arg4[%get3A_67, %get3A_68, %get3A_69] : memref<9x256x256xf32, #tpu.memory_space<vmem>>, vector<1x256x256xf32>
    %get3A_71 = vector.shape_cast %get3A_70 : vector<1x256x256xf32> to vector<256x256xf32>
    %dot_general3A_72 = arith.constant dense<0.000000e+00> : vector<16x256xf32>
    %dot_general3A_73 = tpu.matmul %slice3A_66, %get3A_71, %dot_general3A_72 {dimension_numbers = #tpu.dot_dimension_numbers<[1], [0], [0], [1], [0, 0, 1, 1], [], []>, transpose_lhs_hint = false} : vector<16x256xf32>, vector<256x256xf32>, vector<16x256xf32> -> vector<16x256xf32>
    %add3A_74 = arith.addf %add3A_65, %dot_general3A_73 : vector<16x256xf32>
    %slice3A_75 = vector.extract_strided_slice %get3A_13 {offsets = [1, 0], sizes = [16, 256], strides = [1, 1]} : vector<18x256xf32> to vector<16x256xf32>
    %get3A_76 = arith.constant 7 : index
    %get3A_77 = arith.constant 0 : index
    %get3A_78 = arith.constant 0 : index
    %get3A_79 = vector.load %arg4[%get3A_76, %get3A_77, %get3A_78] : memref<9x256x256xf32, #tpu.memory_space<vmem>>, vector<1x256x256xf32>
    %get3A_80 = vector.shape_cast %get3A_79 : vector<1x256x256xf32> to vector<256x256xf32>
    %dot_general3A_81 = arith.constant dense<0.000000e+00> : vector<16x256xf32>
    %dot_general3A_82 = tpu.matmul %slice3A_75, %get3A_80, %dot_general3A_81 {dimension_numbers = #tpu.dot_dimension_numbers<[1], [0], [0], [1], [0, 0, 1, 1], [], []>, transpose_lhs_hint = false} : vector<16x256xf32>, vector<256x256xf32>, vector<16x256xf32> -> vector<16x256xf32>
    %add3A_83 = arith.addf %add3A_74, %dot_general3A_82 : vector<16x256xf32>
    %slice3A_84 = vector.extract_strided_slice %get3A_13 {offsets = [2, 0], sizes = [16, 256], strides = [1, 1]} : vector<18x256xf32> to vector<16x256xf32>
    %get3A_85 = arith.constant 8 : index
    %get3A_86 = arith.constant 0 : index
    %get3A_87 = arith.constant 0 : index
    %get3A_88 = vector.load %arg4[%get3A_85, %get3A_86, %get3A_87] : memref<9x256x256xf32, #tpu.memory_space<vmem>>, vector<1x256x256xf32>
    %get3A_89 = vector.shape_cast %get3A_88 : vector<1x256x256xf32> to vector<256x256xf32>
    %dot_general3A_90 = arith.constant dense<0.000000e+00> : vector<16x256xf32>
    %dot_general3A_91 = tpu.matmul %slice3A_84, %get3A_89, %dot_general3A_90 {dimension_numbers = #tpu.dot_dimension_numbers<[1], [0], [0], [1], [0, 0, 1, 1], [], []>, transpose_lhs_hint = false} : vector<16x256xf32>, vector<256x256xf32>, vector<16x256xf32> -> vector<16x256xf32>
    %add3A_92 = arith.addf %add3A_83, %dot_general3A_91 : vector<16x256xf32>
    %get3A_93 = arith.constant 0 : index
    %get3A_94 = arith.constant 0 : index
    %get3A_95 = vector.load %arg7[%get3A_93, %get3A_94] : memref<1x256xf32, #tpu.memory_space<vmem>>, vector<1x256xf32>
    %get3A_96 = vector.shape_cast %get3A_95 : vector<1x256xf32> to vector<256xf32>
    %broadcast_in_dim3A_97 = vector.shape_cast %get3A_96 : vector<256xf32> to vector<1x256xf32>
    %add3A_98 = vector.broadcast %broadcast_in_dim3A_97 : vector<1x256xf32> to vector<16x256xf32>
    %add3A_99 = arith.addf %add3A_92, %add3A_98 : vector<16x256xf32>
    %max3A = arith.constant 0.000000e+00 : f32
    %max3A_100 = vector.broadcast %max3A : f32 to vector<16x256xf32>
    %max3A_101 = arith.maximumf %add3A_99, %max3A_100 : vector<16x256xf32>
    %get3A_102 = arith.constant 0 : index
    %get3A_103 = arith.constant 0 : index
    %get3A_104 = vector.load %arg5[%get3A_102, %get3A_103] : memref<256x128xf32, #tpu.memory_space<vmem>>, vector<256x128xf32>
    %dot_general3A_105 = arith.constant dense<0.000000e+00> : vector<16x128xf32>
    %dot_general3A_106 = tpu.matmul %max3A_101, %get3A_104, %dot_general3A_105 {dimension_numbers = #tpu.dot_dimension_numbers<[1], [0], [0], [1], [0, 0, 1, 1], [], []>, transpose_lhs_hint = false} : vector<16x256xf32>, vector<256x128xf32>, vector<16x128xf32> -> vector<16x128xf32>
    %get3A_107 = arith.constant 0 : index
    %get3A_108 = arith.constant 0 : index
    %get3A_109 = vector.load %arg6[%get3A_107, %get3A_108] : memref<1x128xf32, #tpu.memory_space<vmem>>, vector<1x128xf32>
    %get3A_110 = vector.shape_cast %get3A_109 : vector<1x128xf32> to vector<128xf32>
    %broadcast_in_dim3A_111 = vector.shape_cast %get3A_110 : vector<128xf32> to vector<1x128xf32>
    %add3A_112 = vector.broadcast %broadcast_in_dim3A_111 : vector<1x128xf32> to vector<16x128xf32>
    %add3A_113 = arith.addf %dot_general3A_106, %add3A_112 : vector<16x128xf32>
    %swap3A = arith.constant 0 : index
    %swap3A_114 = arith.constant 0 : index
    %swap3A_115 = arith.constant 0 : index
    %swap3A_116 = vector.load %arg8[%swap3A, %swap3A_114, %swap3A_115] : memref<1x16x128xf32, #tpu.memory_space<vmem>>, vector<1x16x128xf32>
    %swap3A_117 = vector.shape_cast %swap3A_116 : vector<1x16x128xf32> to vector<16x128xf32>
    %swap3A_118 = vector.shape_cast %add3A_113 : vector<16x128xf32> to vector<1x16x128xf32>
    tpu.vector_store %arg8[%swap3A, %swap3A_114, %swap3A_115], %swap3A_118 {strides = array<i32>} : memref<1x16x128xf32, #tpu.memory_space<vmem>>, vector<1x16x128xf32>,
    return
  }
  func.func @transform_0(%arg0: i32) -> (i32, i32, i32) {
    %add3A = arith.constant 0 : i32
    %add3A_0 = arith.addi %arg0, %add3A : i32
    %c0_i32 = arith.constant 0 : i32
    %c0_i32_1 = arith.constant 0 : i32
    %c0_i32_2 = arith.constant 0 : i32
    return %add3A_0, %c0_i32, %c0_i32_1 : i32, i32, i32
  }
  func.func @transform_1(%arg0: i32) -> (i32, i32, i32) {
    %add3A = arith.constant 1 : i32
    %add3A_0 = arith.addi %arg0, %add3A : i32
    %c0_i32 = arith.constant 0 : i32
    %c0_i32_1 = arith.constant 0 : i32
    %c0_i32_2 = arith.constant 0 : i32
    return %add3A_0, %c0_i32, %c0_i32_1 : i32, i32, i32
  }
  func.func @transform_2(%arg0: i32) -> (i32, i32, i32) {
    %add3A = arith.constant 2 : i32
    %add3A_0 = arith.addi %arg0, %add3A : i32
    %c0_i32 = arith.constant 0 : i32
    %c0_i32_1 = arith.constant 0 : i32
    %c0_i32_2 = arith.constant 0 : i32
    return %add3A_0, %c0_i32, %c0_i32_1 : i32, i32, i32
  }
  func.func @transform_3(%arg0: i32) -> (i32, i32, i32) {
    %c0_i32 = arith.constant 0 : i32
    %c0_i32_0 = arith.constant 0 : i32
    %c0_i32_1 = arith.constant 0 : i32
    %c0_i32_2 = arith.constant 0 : i32
    return %c0_i32, %c0_i32_0, %c0_i32_1 : i32, i32, i32
  }
  func.func @transform_4(%arg0: i32) -> (i32, i32) {
    %c0_i32 = arith.constant 0 : i32
    %c0_i32_0 = arith.constant 0 : i32
    %c0_i32_1 = arith.constant 0 : i32
    return %c0_i32, %c0_i32_0 : i32, i32
  }
  func.func @transform_5(%arg0: i32) -> (i32, i32) {
    %c0_i32 = arith.constant 0 : i32
    %c0_i32_0 = arith.constant 0 : i32
    %c0_i32_1 = arith.constant 0 : i32
    return %c0_i32, %c0_i32_0 : i32, i32
  }
  func.func @transform_6(%arg0: i32) -> (i32, i32) {
    %c0_i32 = arith.constant 0 : i32
    %c0_i32_0 = arith.constant 0 : i32
    %c0_i32_1 = arith.constant 0 : i32
    return %c0_i32, %c0_i32_0 : i32, i32
  }
  func.func @transform_7(%arg0: i32) -> (i32, i32, i32) {
    %c0_i32 = arith.constant 0 : i32
    %c0_i32_0 = arith.constant 0 : i32
    %c0_i32_1 = arith.constant 0 : i32
    return %arg0, %c0_i32, %c0_i32_0 : i32, i32, i32
  }
}

module attributes {stable_mosaic.version = 14 : i64} {
  func.func @_rpn_head_row_kernel(%arg0: i32, %arg1: memref<1x130x256xf32, #tpu.memory_space<vmem>>, %arg2: memref<1x130x256xf32, #tpu.memory_space<vmem>>, %arg3: memref<1x130x256xf32, #tpu.memory_space<vmem>>, %arg4: memref<9x256x256xf32, #tpu.memory_space<vmem>>, %arg5: memref<256x128xf32, #tpu.memory_space<vmem>>, %arg6: memref<1x128xf32, #tpu.memory_space<vmem>>, %arg7: memref<1x256xf32, #tpu.memory_space<vmem>>, %arg8: memref<1x128x128xf32, #tpu.memory_space<vmem>>) attributes {dimension_semantics = [#tpu.dimension_semantics<arbitrary>], iteration_bounds = array<i64: 128>, scalar_prefetch = 0 : i64, scratch_operands = 0 : i64, tpu.core_type = #tpu.core_type<tc>, window_params = [{transform_indices = @transform_0, window_bounds = array<i64: 1, 130, 256>}, {transform_indices = @transform_1, window_bounds = array<i64: 1, 130, 256>}, {transform_indices = @transform_2, window_bounds = array<i64: 1, 130, 256>}, {pipeline_mode = #tpu.pipeline_mode<synchronous>, transform_indices = @transform_3, window_bounds = array<i64: 9, 256, 256>}, {pipeline_mode = #tpu.pipeline_mode<synchronous>, transform_indices = @transform_4, window_bounds = array<i64: 256, 128>}, {pipeline_mode = #tpu.pipeline_mode<synchronous>, transform_indices = @transform_5, window_bounds = array<i64: 1, 128>}, {pipeline_mode = #tpu.pipeline_mode<synchronous>, transform_indices = @transform_6, window_bounds = array<i64: 1, 256>}, {transform_indices = @transform_7, window_bounds = array<i64: 1, 128, 128>}]} {
    %get3A = arith.constant 0 : index
    %get3A_0 = arith.constant 0 : index
    %get3A_1 = arith.constant 0 : index
    %get3A_2 = vector.load %arg1[%get3A, %get3A_0, %get3A_1] : memref<1x130x256xf32, #tpu.memory_space<vmem>>, vector<1x130x256xf32>
    %get3A_3 = vector.shape_cast %get3A_2 : vector<1x130x256xf32> to vector<130x256xf32>
    %get3A_4 = arith.constant 0 : index
    %get3A_5 = arith.constant 0 : index
    %get3A_6 = arith.constant 0 : index
    %get3A_7 = vector.load %arg2[%get3A_4, %get3A_5, %get3A_6] : memref<1x130x256xf32, #tpu.memory_space<vmem>>, vector<1x130x256xf32>
    %get3A_8 = vector.shape_cast %get3A_7 : vector<1x130x256xf32> to vector<130x256xf32>
    %get3A_9 = arith.constant 0 : index
    %get3A_10 = arith.constant 0 : index
    %get3A_11 = arith.constant 0 : index
    %get3A_12 = vector.load %arg3[%get3A_9, %get3A_10, %get3A_11] : memref<1x130x256xf32, #tpu.memory_space<vmem>>, vector<1x130x256xf32>
    %get3A_13 = vector.shape_cast %get3A_12 : vector<1x130x256xf32> to vector<130x256xf32>
    %broadcast_in_dim3A = arith.constant 0.000000e+00 : f32
    %broadcast_in_dim3A_14 = vector.broadcast %broadcast_in_dim3A : f32 to vector<128x256xf32>
    %slice3A = vector.extract_strided_slice %get3A_3 {offsets = [0, 0], sizes = [128, 256], strides = [1, 1]} : vector<130x256xf32> to vector<128x256xf32>
    %get3A_15 = arith.constant 0 : index
    %get3A_16 = arith.constant 0 : index
    %get3A_17 = arith.constant 0 : index
    %get3A_18 = vector.load %arg4[%get3A_15, %get3A_16, %get3A_17] : memref<9x256x256xf32, #tpu.memory_space<vmem>>, vector<1x256x256xf32>
    %get3A_19 = vector.shape_cast %get3A_18 : vector<1x256x256xf32> to vector<256x256xf32>
    %dot_general3A = arith.constant dense<0.000000e+00> : vector<128x256xf32>
    %dot_general3A_20 = tpu.matmul %slice3A, %get3A_19, %dot_general3A {dimension_numbers = #tpu.dot_dimension_numbers<[1], [0], [0], [1], [0, 0, 1, 1], [], []>, transpose_lhs_hint = false} : vector<128x256xf32>, vector<256x256xf32>, vector<128x256xf32> -> vector<128x256xf32>
    %add3A = arith.addf %broadcast_in_dim3A_14, %dot_general3A_20 : vector<128x256xf32>
    %slice3A_21 = vector.extract_strided_slice %get3A_3 {offsets = [1, 0], sizes = [128, 256], strides = [1, 1]} : vector<130x256xf32> to vector<128x256xf32>
    %get3A_22 = arith.constant 1 : index
    %get3A_23 = arith.constant 0 : index
    %get3A_24 = arith.constant 0 : index
    %get3A_25 = vector.load %arg4[%get3A_22, %get3A_23, %get3A_24] : memref<9x256x256xf32, #tpu.memory_space<vmem>>, vector<1x256x256xf32>
    %get3A_26 = vector.shape_cast %get3A_25 : vector<1x256x256xf32> to vector<256x256xf32>
    %dot_general3A_27 = arith.constant dense<0.000000e+00> : vector<128x256xf32>
    %dot_general3A_28 = tpu.matmul %slice3A_21, %get3A_26, %dot_general3A_27 {dimension_numbers = #tpu.dot_dimension_numbers<[1], [0], [0], [1], [0, 0, 1, 1], [], []>, transpose_lhs_hint = false} : vector<128x256xf32>, vector<256x256xf32>, vector<128x256xf32> -> vector<128x256xf32>
    %add3A_29 = arith.addf %add3A, %dot_general3A_28 : vector<128x256xf32>
    %slice3A_30 = vector.extract_strided_slice %get3A_3 {offsets = [2, 0], sizes = [128, 256], strides = [1, 1]} : vector<130x256xf32> to vector<128x256xf32>
    %get3A_31 = arith.constant 2 : index
    %get3A_32 = arith.constant 0 : index
    %get3A_33 = arith.constant 0 : index
    %get3A_34 = vector.load %arg4[%get3A_31, %get3A_32, %get3A_33] : memref<9x256x256xf32, #tpu.memory_space<vmem>>, vector<1x256x256xf32>
    %get3A_35 = vector.shape_cast %get3A_34 : vector<1x256x256xf32> to vector<256x256xf32>
    %dot_general3A_36 = arith.constant dense<0.000000e+00> : vector<128x256xf32>
    %dot_general3A_37 = tpu.matmul %slice3A_30, %get3A_35, %dot_general3A_36 {dimension_numbers = #tpu.dot_dimension_numbers<[1], [0], [0], [1], [0, 0, 1, 1], [], []>, transpose_lhs_hint = false} : vector<128x256xf32>, vector<256x256xf32>, vector<128x256xf32> -> vector<128x256xf32>
    %add3A_38 = arith.addf %add3A_29, %dot_general3A_37 : vector<128x256xf32>
    %slice3A_39 = vector.extract_strided_slice %get3A_8 {offsets = [0, 0], sizes = [128, 256], strides = [1, 1]} : vector<130x256xf32> to vector<128x256xf32>
    %get3A_40 = arith.constant 3 : index
    %get3A_41 = arith.constant 0 : index
    %get3A_42 = arith.constant 0 : index
    %get3A_43 = vector.load %arg4[%get3A_40, %get3A_41, %get3A_42] : memref<9x256x256xf32, #tpu.memory_space<vmem>>, vector<1x256x256xf32>
    %get3A_44 = vector.shape_cast %get3A_43 : vector<1x256x256xf32> to vector<256x256xf32>
    %dot_general3A_45 = arith.constant dense<0.000000e+00> : vector<128x256xf32>
    %dot_general3A_46 = tpu.matmul %slice3A_39, %get3A_44, %dot_general3A_45 {dimension_numbers = #tpu.dot_dimension_numbers<[1], [0], [0], [1], [0, 0, 1, 1], [], []>, transpose_lhs_hint = false} : vector<128x256xf32>, vector<256x256xf32>, vector<128x256xf32> -> vector<128x256xf32>
    %add3A_47 = arith.addf %add3A_38, %dot_general3A_46 : vector<128x256xf32>
    %slice3A_48 = vector.extract_strided_slice %get3A_8 {offsets = [1, 0], sizes = [128, 256], strides = [1, 1]} : vector<130x256xf32> to vector<128x256xf32>
    %get3A_49 = arith.constant 4 : index
    %get3A_50 = arith.constant 0 : index
    %get3A_51 = arith.constant 0 : index
    %get3A_52 = vector.load %arg4[%get3A_49, %get3A_50, %get3A_51] : memref<9x256x256xf32, #tpu.memory_space<vmem>>, vector<1x256x256xf32>
    %get3A_53 = vector.shape_cast %get3A_52 : vector<1x256x256xf32> to vector<256x256xf32>
    %dot_general3A_54 = arith.constant dense<0.000000e+00> : vector<128x256xf32>
    %dot_general3A_55 = tpu.matmul %slice3A_48, %get3A_53, %dot_general3A_54 {dimension_numbers = #tpu.dot_dimension_numbers<[1], [0], [0], [1], [0, 0, 1, 1], [], []>, transpose_lhs_hint = false} : vector<128x256xf32>, vector<256x256xf32>, vector<128x256xf32> -> vector<128x256xf32>
    %add3A_56 = arith.addf %add3A_47, %dot_general3A_55 : vector<128x256xf32>
    %slice3A_57 = vector.extract_strided_slice %get3A_8 {offsets = [2, 0], sizes = [128, 256], strides = [1, 1]} : vector<130x256xf32> to vector<128x256xf32>
    %get3A_58 = arith.constant 5 : index
    %get3A_59 = arith.constant 0 : index
    %get3A_60 = arith.constant 0 : index
    %get3A_61 = vector.load %arg4[%get3A_58, %get3A_59, %get3A_60] : memref<9x256x256xf32, #tpu.memory_space<vmem>>, vector<1x256x256xf32>
    %get3A_62 = vector.shape_cast %get3A_61 : vector<1x256x256xf32> to vector<256x256xf32>
    %dot_general3A_63 = arith.constant dense<0.000000e+00> : vector<128x256xf32>
    %dot_general3A_64 = tpu.matmul %slice3A_57, %get3A_62, %dot_general3A_63 {dimension_numbers = #tpu.dot_dimension_numbers<[1], [0], [0], [1], [0, 0, 1, 1], [], []>, transpose_lhs_hint = false} : vector<128x256xf32>, vector<256x256xf32>, vector<128x256xf32> -> vector<128x256xf32>
    %add3A_65 = arith.addf %add3A_56, %dot_general3A_64 : vector<128x256xf32>
    %slice3A_66 = vector.extract_strided_slice %get3A_13 {offsets = [0, 0], sizes = [128, 256], strides = [1, 1]} : vector<130x256xf32> to vector<128x256xf32>
    %get3A_67 = arith.constant 6 : index
    %get3A_68 = arith.constant 0 : index
    %get3A_69 = arith.constant 0 : index
    %get3A_70 = vector.load %arg4[%get3A_67, %get3A_68, %get3A_69] : memref<9x256x256xf32, #tpu.memory_space<vmem>>, vector<1x256x256xf32>
    %get3A_71 = vector.shape_cast %get3A_70 : vector<1x256x256xf32> to vector<256x256xf32>
    %dot_general3A_72 = arith.constant dense<0.000000e+00> : vector<128x256xf32>
    %dot_general3A_73 = tpu.matmul %slice3A_66, %get3A_71, %dot_general3A_72 {dimension_numbers = #tpu.dot_dimension_numbers<[1], [0], [0], [1], [0, 0, 1, 1], [], []>, transpose_lhs_hint = false} : vector<128x256xf32>, vector<256x256xf32>, vector<128x256xf32> -> vector<128x256xf32>
    %add3A_74 = arith.addf %add3A_65, %dot_general3A_73 : vector<128x256xf32>
    %slice3A_75 = vector.extract_strided_slice %get3A_13 {offsets = [1, 0], sizes = [128, 256], strides = [1, 1]} : vector<130x256xf32> to vector<128x256xf32>
    %get3A_76 = arith.constant 7 : index
    %get3A_77 = arith.constant 0 : index
    %get3A_78 = arith.constant 0 : index
    %get3A_79 = vector.load %arg4[%get3A_76, %get3A_77, %get3A_78] : memref<9x256x256xf32, #tpu.memory_space<vmem>>, vector<1x256x256xf32>
    %get3A_80 = vector.shape_cast %get3A_79 : vector<1x256x256xf32> to vector<256x256xf32>
    %dot_general3A_81 = arith.constant dense<0.000000e+00> : vector<128x256xf32>
    %dot_general3A_82 = tpu.matmul %slice3A_75, %get3A_80, %dot_general3A_81 {dimension_numbers = #tpu.dot_dimension_numbers<[1], [0], [0], [1], [0, 0, 1, 1], [], []>, transpose_lhs_hint = false} : vector<128x256xf32>, vector<256x256xf32>, vector<128x256xf32> -> vector<128x256xf32>
    %add3A_83 = arith.addf %add3A_74, %dot_general3A_82 : vector<128x256xf32>
    %slice3A_84 = vector.extract_strided_slice %get3A_13 {offsets = [2, 0], sizes = [128, 256], strides = [1, 1]} : vector<130x256xf32> to vector<128x256xf32>
    %get3A_85 = arith.constant 8 : index
    %get3A_86 = arith.constant 0 : index
    %get3A_87 = arith.constant 0 : index
    %get3A_88 = vector.load %arg4[%get3A_85, %get3A_86, %get3A_87] : memref<9x256x256xf32, #tpu.memory_space<vmem>>, vector<1x256x256xf32>
    %get3A_89 = vector.shape_cast %get3A_88 : vector<1x256x256xf32> to vector<256x256xf32>
    %dot_general3A_90 = arith.constant dense<0.000000e+00> : vector<128x256xf32>
    %dot_general3A_91 = tpu.matmul %slice3A_84, %get3A_89, %dot_general3A_90 {dimension_numbers = #tpu.dot_dimension_numbers<[1], [0], [0], [1], [0, 0, 1, 1], [], []>, transpose_lhs_hint = false} : vector<128x256xf32>, vector<256x256xf32>, vector<128x256xf32> -> vector<128x256xf32>
    %add3A_92 = arith.addf %add3A_83, %dot_general3A_91 : vector<128x256xf32>
    %get3A_93 = arith.constant 0 : index
    %get3A_94 = arith.constant 0 : index
    %get3A_95 = vector.load %arg7[%get3A_93, %get3A_94] : memref<1x256xf32, #tpu.memory_space<vmem>>, vector<1x256xf32>
    %get3A_96 = vector.shape_cast %get3A_95 : vector<1x256xf32> to vector<256xf32>
    %broadcast_in_dim3A_97 = vector.shape_cast %get3A_96 : vector<256xf32> to vector<1x256xf32>
    %add3A_98 = vector.broadcast %broadcast_in_dim3A_97 : vector<1x256xf32> to vector<128x256xf32>
    %add3A_99 = arith.addf %add3A_92, %add3A_98 : vector<128x256xf32>
    %max3A = arith.constant 0.000000e+00 : f32
    %max3A_100 = vector.broadcast %max3A : f32 to vector<128x256xf32>
    %max3A_101 = arith.maximumf %add3A_99, %max3A_100 : vector<128x256xf32>
    %get3A_102 = arith.constant 0 : index
    %get3A_103 = arith.constant 0 : index
    %get3A_104 = vector.load %arg5[%get3A_102, %get3A_103] : memref<256x128xf32, #tpu.memory_space<vmem>>, vector<256x128xf32>
    %dot_general3A_105 = arith.constant dense<0.000000e+00> : vector<128x128xf32>
    %dot_general3A_106 = tpu.matmul %max3A_101, %get3A_104, %dot_general3A_105 {dimension_numbers = #tpu.dot_dimension_numbers<[1], [0], [0], [1], [0, 0, 1, 1], [], []>, transpose_lhs_hint = false} : vector<128x256xf32>, vector<256x128xf32>, vector<128x128xf32> -> vector<128x128xf32>
    %get3A_107 = arith.constant 0 : index
    %get3A_108 = arith.constant 0 : index
    %get3A_109 = vector.load %arg6[%get3A_107, %get3A_108] : memref<1x128xf32, #tpu.memory_space<vmem>>, vector<1x128xf32>
    %get3A_110 = vector.shape_cast %get3A_109 : vector<1x128xf32> to vector<128xf32>
    %broadcast_in_dim3A_111 = vector.shape_cast %get3A_110 : vector<128xf32> to vector<1x128xf32>
    %add3A_112 = vector.broadcast %broadcast_in_dim3A_111 : vector<1x128xf32> to vector<128x128xf32>
    %add3A_113 = arith.addf %dot_general3A_106, %add3A_112 : vector<128x128xf32>
    %swap3A = arith.constant 0 : index
    %swap3A_114 = arith.constant 0 : index
    %swap3A_115 = arith.constant 0 : index
    %swap3A_116 = vector.load %arg8[%swap3A, %swap3A_114, %swap3A_115] : memref<1x128x128xf32, #tpu.memory_space<vmem>>, vector<1x128x128xf32>
    %swap3A_117 = vector.shape_cast %swap3A_116 : vector<1x128x128xf32> to vector<128x128xf32>
    %swap3A_118 = vector.shape_cast %add3A_113 : vector<128x128xf32> to vector<1x128x128xf32>
    tpu.vector_store %arg8[%swap3A, %swap3A_114, %swap3A_115], %swap3A_118 {strides = array<i32>} : memref<1x128x128xf32, #tpu.memory_space<vmem>>, vector<1x128x128xf32>,
    return
  }
  func.func @transform_0(%arg0: i32) -> (i32, i32, i32) {
    %add3A = arith.constant 0 : i32
    %add3A_0 = arith.addi %arg0, %add3A : i32
    %c0_i32 = arith.constant 0 : i32
    %c0_i32_1 = arith.constant 0 : i32
    %c0_i32_2 = arith.constant 0 : i32
    return %add3A_0, %c0_i32, %c0_i32_1 : i32, i32, i32
  }
  func.func @transform_1(%arg0: i32) -> (i32, i32, i32) {
    %add3A = arith.constant 1 : i32
    %add3A_0 = arith.addi %arg0, %add3A : i32
    %c0_i32 = arith.constant 0 : i32
    %c0_i32_1 = arith.constant 0 : i32
    %c0_i32_2 = arith.constant 0 : i32
    return %add3A_0, %c0_i32, %c0_i32_1 : i32, i32, i32
  }
  func.func @transform_2(%arg0: i32) -> (i32, i32, i32) {
    %add3A = arith.constant 2 : i32
    %add3A_0 = arith.addi %arg0, %add3A : i32
    %c0_i32 = arith.constant 0 : i32
    %c0_i32_1 = arith.constant 0 : i32
    %c0_i32_2 = arith.constant 0 : i32
    return %add3A_0, %c0_i32, %c0_i32_1 : i32, i32, i32
  }
  func.func @transform_3(%arg0: i32) -> (i32, i32, i32) {
    %c0_i32 = arith.constant 0 : i32
    %c0_i32_0 = arith.constant 0 : i32
    %c0_i32_1 = arith.constant 0 : i32
    %c0_i32_2 = arith.constant 0 : i32
    return %c0_i32, %c0_i32_0, %c0_i32_1 : i32, i32, i32
  }
  func.func @transform_4(%arg0: i32) -> (i32, i32) {
    %c0_i32 = arith.constant 0 : i32
    %c0_i32_0 = arith.constant 0 : i32
    %c0_i32_1 = arith.constant 0 : i32
    return %c0_i32, %c0_i32_0 : i32, i32
  }
  func.func @transform_5(%arg0: i32) -> (i32, i32) {
    %c0_i32 = arith.constant 0 : i32
    %c0_i32_0 = arith.constant 0 : i32
    %c0_i32_1 = arith.constant 0 : i32
    return %c0_i32, %c0_i32_0 : i32, i32
  }
  func.func @transform_6(%arg0: i32) -> (i32, i32) {
    %c0_i32 = arith.constant 0 : i32
    %c0_i32_0 = arith.constant 0 : i32
    %c0_i32_1 = arith.constant 0 : i32
    return %c0_i32, %c0_i32_0 : i32, i32
  }
  func.func @transform_7(%arg0: i32) -> (i32, i32, i32) {
    %c0_i32 = arith.constant 0 : i32
    %c0_i32_0 = arith.constant 0 : i32
    %c0_i32_1 = arith.constant 0 : i32
    return %arg0, %c0_i32, %c0_i32_0 : i32, i32, i32
  }
}

module attributes {stable_mosaic.version = 14 : i64} {
  func.func @_rpn_head_row_kernel(%arg0: i32, %arg1: memref<1x10x256xf32, #tpu.memory_space<vmem>>, %arg2: memref<1x10x256xf32, #tpu.memory_space<vmem>>, %arg3: memref<1x10x256xf32, #tpu.memory_space<vmem>>, %arg4: memref<9x256x256xf32, #tpu.memory_space<vmem>>, %arg5: memref<256x128xf32, #tpu.memory_space<vmem>>, %arg6: memref<1x128xf32, #tpu.memory_space<vmem>>, %arg7: memref<1x256xf32, #tpu.memory_space<vmem>>, %arg8: memref<1x8x128xf32, #tpu.memory_space<vmem>>) attributes {dimension_semantics = [#tpu.dimension_semantics<arbitrary>], iteration_bounds = array<i64: 8>, scalar_prefetch = 0 : i64, scratch_operands = 0 : i64, tpu.core_type = #tpu.core_type<tc>, window_params = [{transform_indices = @transform_0, window_bounds = array<i64: 1, 10, 256>}, {transform_indices = @transform_1, window_bounds = array<i64: 1, 10, 256>}, {transform_indices = @transform_2, window_bounds = array<i64: 1, 10, 256>}, {pipeline_mode = #tpu.pipeline_mode<synchronous>, transform_indices = @transform_3, window_bounds = array<i64: 9, 256, 256>}, {pipeline_mode = #tpu.pipeline_mode<synchronous>, transform_indices = @transform_4, window_bounds = array<i64: 256, 128>}, {pipeline_mode = #tpu.pipeline_mode<synchronous>, transform_indices = @transform_5, window_bounds = array<i64: 1, 128>}, {pipeline_mode = #tpu.pipeline_mode<synchronous>, transform_indices = @transform_6, window_bounds = array<i64: 1, 256>}, {transform_indices = @transform_7, window_bounds = array<i64: 1, 8, 128>}]} {
    %get3A = arith.constant 0 : index
    %get3A_0 = arith.constant 0 : index
    %get3A_1 = arith.constant 0 : index
    %get3A_2 = vector.load %arg1[%get3A, %get3A_0, %get3A_1] : memref<1x10x256xf32, #tpu.memory_space<vmem>>, vector<1x10x256xf32>
    %get3A_3 = vector.shape_cast %get3A_2 : vector<1x10x256xf32> to vector<10x256xf32>
    %get3A_4 = arith.constant 0 : index
    %get3A_5 = arith.constant 0 : index
    %get3A_6 = arith.constant 0 : index
    %get3A_7 = vector.load %arg2[%get3A_4, %get3A_5, %get3A_6] : memref<1x10x256xf32, #tpu.memory_space<vmem>>, vector<1x10x256xf32>
    %get3A_8 = vector.shape_cast %get3A_7 : vector<1x10x256xf32> to vector<10x256xf32>
    %get3A_9 = arith.constant 0 : index
    %get3A_10 = arith.constant 0 : index
    %get3A_11 = arith.constant 0 : index
    %get3A_12 = vector.load %arg3[%get3A_9, %get3A_10, %get3A_11] : memref<1x10x256xf32, #tpu.memory_space<vmem>>, vector<1x10x256xf32>
    %get3A_13 = vector.shape_cast %get3A_12 : vector<1x10x256xf32> to vector<10x256xf32>
    %broadcast_in_dim3A = arith.constant 0.000000e+00 : f32
    %broadcast_in_dim3A_14 = vector.broadcast %broadcast_in_dim3A : f32 to vector<8x256xf32>
    %slice3A = vector.extract_strided_slice %get3A_3 {offsets = [0, 0], sizes = [8, 256], strides = [1, 1]} : vector<10x256xf32> to vector<8x256xf32>
    %get3A_15 = arith.constant 0 : index
    %get3A_16 = arith.constant 0 : index
    %get3A_17 = arith.constant 0 : index
    %get3A_18 = vector.load %arg4[%get3A_15, %get3A_16, %get3A_17] : memref<9x256x256xf32, #tpu.memory_space<vmem>>, vector<1x256x256xf32>
    %get3A_19 = vector.shape_cast %get3A_18 : vector<1x256x256xf32> to vector<256x256xf32>
    %dot_general3A = arith.constant dense<0.000000e+00> : vector<8x256xf32>
    %dot_general3A_20 = tpu.matmul %slice3A, %get3A_19, %dot_general3A {dimension_numbers = #tpu.dot_dimension_numbers<[1], [0], [0], [1], [0, 0, 1, 1], [], []>, transpose_lhs_hint = false} : vector<8x256xf32>, vector<256x256xf32>, vector<8x256xf32> -> vector<8x256xf32>
    %add3A = arith.addf %broadcast_in_dim3A_14, %dot_general3A_20 : vector<8x256xf32>
    %slice3A_21 = vector.extract_strided_slice %get3A_3 {offsets = [1, 0], sizes = [8, 256], strides = [1, 1]} : vector<10x256xf32> to vector<8x256xf32>
    %get3A_22 = arith.constant 1 : index
    %get3A_23 = arith.constant 0 : index
    %get3A_24 = arith.constant 0 : index
    %get3A_25 = vector.load %arg4[%get3A_22, %get3A_23, %get3A_24] : memref<9x256x256xf32, #tpu.memory_space<vmem>>, vector<1x256x256xf32>
    %get3A_26 = vector.shape_cast %get3A_25 : vector<1x256x256xf32> to vector<256x256xf32>
    %dot_general3A_27 = arith.constant dense<0.000000e+00> : vector<8x256xf32>
    %dot_general3A_28 = tpu.matmul %slice3A_21, %get3A_26, %dot_general3A_27 {dimension_numbers = #tpu.dot_dimension_numbers<[1], [0], [0], [1], [0, 0, 1, 1], [], []>, transpose_lhs_hint = false} : vector<8x256xf32>, vector<256x256xf32>, vector<8x256xf32> -> vector<8x256xf32>
    %add3A_29 = arith.addf %add3A, %dot_general3A_28 : vector<8x256xf32>
    %slice3A_30 = vector.extract_strided_slice %get3A_3 {offsets = [2, 0], sizes = [8, 256], strides = [1, 1]} : vector<10x256xf32> to vector<8x256xf32>
    %get3A_31 = arith.constant 2 : index
    %get3A_32 = arith.constant 0 : index
    %get3A_33 = arith.constant 0 : index
    %get3A_34 = vector.load %arg4[%get3A_31, %get3A_32, %get3A_33] : memref<9x256x256xf32, #tpu.memory_space<vmem>>, vector<1x256x256xf32>
    %get3A_35 = vector.shape_cast %get3A_34 : vector<1x256x256xf32> to vector<256x256xf32>
    %dot_general3A_36 = arith.constant dense<0.000000e+00> : vector<8x256xf32>
    %dot_general3A_37 = tpu.matmul %slice3A_30, %get3A_35, %dot_general3A_36 {dimension_numbers = #tpu.dot_dimension_numbers<[1], [0], [0], [1], [0, 0, 1, 1], [], []>, transpose_lhs_hint = false} : vector<8x256xf32>, vector<256x256xf32>, vector<8x256xf32> -> vector<8x256xf32>
    %add3A_38 = arith.addf %add3A_29, %dot_general3A_37 : vector<8x256xf32>
    %slice3A_39 = vector.extract_strided_slice %get3A_8 {offsets = [0, 0], sizes = [8, 256], strides = [1, 1]} : vector<10x256xf32> to vector<8x256xf32>
    %get3A_40 = arith.constant 3 : index
    %get3A_41 = arith.constant 0 : index
    %get3A_42 = arith.constant 0 : index
    %get3A_43 = vector.load %arg4[%get3A_40, %get3A_41, %get3A_42] : memref<9x256x256xf32, #tpu.memory_space<vmem>>, vector<1x256x256xf32>
    %get3A_44 = vector.shape_cast %get3A_43 : vector<1x256x256xf32> to vector<256x256xf32>
    %dot_general3A_45 = arith.constant dense<0.000000e+00> : vector<8x256xf32>
    %dot_general3A_46 = tpu.matmul %slice3A_39, %get3A_44, %dot_general3A_45 {dimension_numbers = #tpu.dot_dimension_numbers<[1], [0], [0], [1], [0, 0, 1, 1], [], []>, transpose_lhs_hint = false} : vector<8x256xf32>, vector<256x256xf32>, vector<8x256xf32> -> vector<8x256xf32>
    %add3A_47 = arith.addf %add3A_38, %dot_general3A_46 : vector<8x256xf32>
    %slice3A_48 = vector.extract_strided_slice %get3A_8 {offsets = [1, 0], sizes = [8, 256], strides = [1, 1]} : vector<10x256xf32> to vector<8x256xf32>
    %get3A_49 = arith.constant 4 : index
    %get3A_50 = arith.constant 0 : index
    %get3A_51 = arith.constant 0 : index
    %get3A_52 = vector.load %arg4[%get3A_49, %get3A_50, %get3A_51] : memref<9x256x256xf32, #tpu.memory_space<vmem>>, vector<1x256x256xf32>
    %get3A_53 = vector.shape_cast %get3A_52 : vector<1x256x256xf32> to vector<256x256xf32>
    %dot_general3A_54 = arith.constant dense<0.000000e+00> : vector<8x256xf32>
    %dot_general3A_55 = tpu.matmul %slice3A_48, %get3A_53, %dot_general3A_54 {dimension_numbers = #tpu.dot_dimension_numbers<[1], [0], [0], [1], [0, 0, 1, 1], [], []>, transpose_lhs_hint = false} : vector<8x256xf32>, vector<256x256xf32>, vector<8x256xf32> -> vector<8x256xf32>
    %add3A_56 = arith.addf %add3A_47, %dot_general3A_55 : vector<8x256xf32>
    %slice3A_57 = vector.extract_strided_slice %get3A_8 {offsets = [2, 0], sizes = [8, 256], strides = [1, 1]} : vector<10x256xf32> to vector<8x256xf32>
    %get3A_58 = arith.constant 5 : index
    %get3A_59 = arith.constant 0 : index
    %get3A_60 = arith.constant 0 : index
    %get3A_61 = vector.load %arg4[%get3A_58, %get3A_59, %get3A_60] : memref<9x256x256xf32, #tpu.memory_space<vmem>>, vector<1x256x256xf32>
    %get3A_62 = vector.shape_cast %get3A_61 : vector<1x256x256xf32> to vector<256x256xf32>
    %dot_general3A_63 = arith.constant dense<0.000000e+00> : vector<8x256xf32>
    %dot_general3A_64 = tpu.matmul %slice3A_57, %get3A_62, %dot_general3A_63 {dimension_numbers = #tpu.dot_dimension_numbers<[1], [0], [0], [1], [0, 0, 1, 1], [], []>, transpose_lhs_hint = false} : vector<8x256xf32>, vector<256x256xf32>, vector<8x256xf32> -> vector<8x256xf32>
    %add3A_65 = arith.addf %add3A_56, %dot_general3A_64 : vector<8x256xf32>
    %slice3A_66 = vector.extract_strided_slice %get3A_13 {offsets = [0, 0], sizes = [8, 256], strides = [1, 1]} : vector<10x256xf32> to vector<8x256xf32>
    %get3A_67 = arith.constant 6 : index
    %get3A_68 = arith.constant 0 : index
    %get3A_69 = arith.constant 0 : index
    %get3A_70 = vector.load %arg4[%get3A_67, %get3A_68, %get3A_69] : memref<9x256x256xf32, #tpu.memory_space<vmem>>, vector<1x256x256xf32>
    %get3A_71 = vector.shape_cast %get3A_70 : vector<1x256x256xf32> to vector<256x256xf32>
    %dot_general3A_72 = arith.constant dense<0.000000e+00> : vector<8x256xf32>
    %dot_general3A_73 = tpu.matmul %slice3A_66, %get3A_71, %dot_general3A_72 {dimension_numbers = #tpu.dot_dimension_numbers<[1], [0], [0], [1], [0, 0, 1, 1], [], []>, transpose_lhs_hint = false} : vector<8x256xf32>, vector<256x256xf32>, vector<8x256xf32> -> vector<8x256xf32>
    %add3A_74 = arith.addf %add3A_65, %dot_general3A_73 : vector<8x256xf32>
    %slice3A_75 = vector.extract_strided_slice %get3A_13 {offsets = [1, 0], sizes = [8, 256], strides = [1, 1]} : vector<10x256xf32> to vector<8x256xf32>
    %get3A_76 = arith.constant 7 : index
    %get3A_77 = arith.constant 0 : index
    %get3A_78 = arith.constant 0 : index
    %get3A_79 = vector.load %arg4[%get3A_76, %get3A_77, %get3A_78] : memref<9x256x256xf32, #tpu.memory_space<vmem>>, vector<1x256x256xf32>
    %get3A_80 = vector.shape_cast %get3A_79 : vector<1x256x256xf32> to vector<256x256xf32>
    %dot_general3A_81 = arith.constant dense<0.000000e+00> : vector<8x256xf32>
    %dot_general3A_82 = tpu.matmul %slice3A_75, %get3A_80, %dot_general3A_81 {dimension_numbers = #tpu.dot_dimension_numbers<[1], [0], [0], [1], [0, 0, 1, 1], [], []>, transpose_lhs_hint = false} : vector<8x256xf32>, vector<256x256xf32>, vector<8x256xf32> -> vector<8x256xf32>
    %add3A_83 = arith.addf %add3A_74, %dot_general3A_82 : vector<8x256xf32>
    %slice3A_84 = vector.extract_strided_slice %get3A_13 {offsets = [2, 0], sizes = [8, 256], strides = [1, 1]} : vector<10x256xf32> to vector<8x256xf32>
    %get3A_85 = arith.constant 8 : index
    %get3A_86 = arith.constant 0 : index
    %get3A_87 = arith.constant 0 : index
    %get3A_88 = vector.load %arg4[%get3A_85, %get3A_86, %get3A_87] : memref<9x256x256xf32, #tpu.memory_space<vmem>>, vector<1x256x256xf32>
    %get3A_89 = vector.shape_cast %get3A_88 : vector<1x256x256xf32> to vector<256x256xf32>
    %dot_general3A_90 = arith.constant dense<0.000000e+00> : vector<8x256xf32>
    %dot_general3A_91 = tpu.matmul %slice3A_84, %get3A_89, %dot_general3A_90 {dimension_numbers = #tpu.dot_dimension_numbers<[1], [0], [0], [1], [0, 0, 1, 1], [], []>, transpose_lhs_hint = false} : vector<8x256xf32>, vector<256x256xf32>, vector<8x256xf32> -> vector<8x256xf32>
    %add3A_92 = arith.addf %add3A_83, %dot_general3A_91 : vector<8x256xf32>
    %get3A_93 = arith.constant 0 : index
    %get3A_94 = arith.constant 0 : index
    %get3A_95 = vector.load %arg7[%get3A_93, %get3A_94] : memref<1x256xf32, #tpu.memory_space<vmem>>, vector<1x256xf32>
    %get3A_96 = vector.shape_cast %get3A_95 : vector<1x256xf32> to vector<256xf32>
    %broadcast_in_dim3A_97 = vector.shape_cast %get3A_96 : vector<256xf32> to vector<1x256xf32>
    %add3A_98 = vector.broadcast %broadcast_in_dim3A_97 : vector<1x256xf32> to vector<8x256xf32>
    %add3A_99 = arith.addf %add3A_92, %add3A_98 : vector<8x256xf32>
    %max3A = arith.constant 0.000000e+00 : f32
    %max3A_100 = vector.broadcast %max3A : f32 to vector<8x256xf32>
    %max3A_101 = arith.maximumf %add3A_99, %max3A_100 : vector<8x256xf32>
    %get3A_102 = arith.constant 0 : index
    %get3A_103 = arith.constant 0 : index
    %get3A_104 = vector.load %arg5[%get3A_102, %get3A_103] : memref<256x128xf32, #tpu.memory_space<vmem>>, vector<256x128xf32>
    %dot_general3A_105 = arith.constant dense<0.000000e+00> : vector<8x128xf32>
    %dot_general3A_106 = tpu.matmul %max3A_101, %get3A_104, %dot_general3A_105 {dimension_numbers = #tpu.dot_dimension_numbers<[1], [0], [0], [1], [0, 0, 1, 1], [], []>, transpose_lhs_hint = false} : vector<8x256xf32>, vector<256x128xf32>, vector<8x128xf32> -> vector<8x128xf32>
    %get3A_107 = arith.constant 0 : index
    %get3A_108 = arith.constant 0 : index
    %get3A_109 = vector.load %arg6[%get3A_107, %get3A_108] : memref<1x128xf32, #tpu.memory_space<vmem>>, vector<1x128xf32>
    %get3A_110 = vector.shape_cast %get3A_109 : vector<1x128xf32> to vector<128xf32>
    %broadcast_in_dim3A_111 = vector.shape_cast %get3A_110 : vector<128xf32> to vector<1x128xf32>
    %add3A_112 = vector.broadcast %broadcast_in_dim3A_111 : vector<1x128xf32> to vector<8x128xf32>
    %add3A_113 = arith.addf %dot_general3A_106, %add3A_112 : vector<8x128xf32>
    %swap3A = arith.constant 0 : index
    %swap3A_114 = arith.constant 0 : index
    %swap3A_115 = arith.constant 0 : index
    %swap3A_116 = vector.load %arg8[%swap3A, %swap3A_114, %swap3A_115] : memref<1x8x128xf32, #tpu.memory_space<vmem>>, vector<1x8x128xf32>
    %swap3A_117 = vector.shape_cast %swap3A_116 : vector<1x8x128xf32> to vector<8x128xf32>
    %swap3A_118 = vector.shape_cast %add3A_113 : vector<8x128xf32> to vector<1x8x128xf32>
    tpu.vector_store %arg8[%swap3A, %swap3A_114, %swap3A_115], %swap3A_118 {strides = array<i32>} : memref<1x8x128xf32, #tpu.memory_space<vmem>>, vector<1x8x128xf32>,
    return
  }
  func.func @transform_0(%arg0: i32) -> (i32, i32, i32) {
    %add3A = arith.constant 0 : i32
    %add3A_0 = arith.addi %arg0, %add3A : i32
    %c0_i32 = arith.constant 0 : i32
    %c0_i32_1 = arith.constant 0 : i32
    %c0_i32_2 = arith.constant 0 : i32
    return %add3A_0, %c0_i32, %c0_i32_1 : i32, i32, i32
  }
  func.func @transform_1(%arg0: i32) -> (i32, i32, i32) {
    %add3A = arith.constant 1 : i32
    %add3A_0 = arith.addi %arg0, %add3A : i32
    %c0_i32 = arith.constant 0 : i32
    %c0_i32_1 = arith.constant 0 : i32
    %c0_i32_2 = arith.constant 0 : i32
    return %add3A_0, %c0_i32, %c0_i32_1 : i32, i32, i32
  }
  func.func @transform_2(%arg0: i32) -> (i32, i32, i32) {
    %add3A = arith.constant 2 : i32
    %add3A_0 = arith.addi %arg0, %add3A : i32
    %c0_i32 = arith.constant 0 : i32
    %c0_i32_1 = arith.constant 0 : i32
    %c0_i32_2 = arith.constant 0 : i32
    return %add3A_0, %c0_i32, %c0_i32_1 : i32, i32, i32
  }
  func.func @transform_3(%arg0: i32) -> (i32, i32, i32) {
    %c0_i32 = arith.constant 0 : i32
    %c0_i32_0 = arith.constant 0 : i32
    %c0_i32_1 = arith.constant 0 : i32
    %c0_i32_2 = arith.constant 0 : i32
    return %c0_i32, %c0_i32_0, %c0_i32_1 : i32, i32, i32
  }
  func.func @transform_4(%arg0: i32) -> (i32, i32) {
    %c0_i32 = arith.constant 0 : i32
    %c0_i32_0 = arith.constant 0 : i32
    %c0_i32_1 = arith.constant 0 : i32
    return %c0_i32, %c0_i32_0 : i32, i32
  }
  func.func @transform_5(%arg0: i32) -> (i32, i32) {
    %c0_i32 = arith.constant 0 : i32
    %c0_i32_0 = arith.constant 0 : i32
    %c0_i32_1 = arith.constant 0 : i32
    return %c0_i32, %c0_i32_0 : i32, i32
  }
  func.func @transform_6(%arg0: i32) -> (i32, i32) {
    %c0_i32 = arith.constant 0 : i32
    %c0_i32_0 = arith.constant 0 : i32
    %c0_i32_1 = arith.constant 0 : i32
    return %c0_i32, %c0_i32_0 : i32, i32
  }
  func.func @transform_7(%arg0: i32) -> (i32, i32, i32) {
    %c0_i32 = arith.constant 0 : i32
    %c0_i32_0 = arith.constant 0 : i32
    %c0_i32_1 = arith.constant 0 : i32
    return %arg0, %c0_i32, %c0_i32_0 : i32, i32, i32
  }
}

</mosaic_0001>

<sc_bundles>
// kernel: gather_offload_async_start.1
scs
__scs_entry_jumppad:
0x0: {  	(pc) =	sbr.rel $0x88, $3  }
0x1: {  	(tag) =	ssettag $0x0;
	lr =	simm.s32 $0x1  }
0x2: {  	[smem:$0x3F96] =	sst lr;
	_ =	strace $0xD0000000  }
0x3: {  	_ = 	snop  }
0x4: {  	_ = 	snop  }
0x5: {  	_ = 	snop  }
0x6: {  	_ = 	snop  }
0x7: {  	_ = 	snop  }
__scs_overlays_trampoline_lowered:
0x8: {  	[smem:$0x3FA5] =	sst s0  }
0x9: {  	[smem:$0x3FA6] =	sst s1  }
0xa: {  	[smem:$0x3FA7] =	sst s2  }
0xb: {  	[smem:$0x3FA8] =	sst s3  }
0xc: {  	[smem:$0x3FA9] =	sst s4  }
0xd: {  	[smem:$0x3FAA] =	sst s5  }
0xe: {  	[smem:$0x3FAB] =	sst s6  }
0xf: {  	[smem:$0x3FAC] =	sst s7  }
0x10: {  	[smem:$0x3FAD] =	sst s8  }
0x11: {  	[smem:$0x3FAE] =	sst s9;
	s0 =	simm.s32 @!p0 $0x0  }
0x12: {  	s1 =	sld [smem:$0x3F94];
	s0 =	simm.s32 @p0 $0x1  }
0x13: {  	[smem:$0x3FAF] =	sst s0;
	s0 =	simm.s32 @!p1 $0x0  }
0x14: {  	s2 =	sld [smem:$0x3F93];
	s0 =	simm.s32 @p1 $0x1  }
0x15: {  	[smem:$0x3FB0] =	sst s0;
	s0 =	simm.s32 @!p2 $0x0  }
0x16: {  	s3 =	sld [smem:$0x3FDB];
	s0 =	simm.s32 @p2 $0x1  }
0x17: {  	s4 =	simm.s32 $0x1BF5;
	[smem:$0x3FB2] =	sst s0  }
0x18: {  	s0 =	sld [smem:$0x3F95];
	_ =	swait.ge [sflag:s4], $0x0  }
0x19: {  	s7 =	sld [smem:$0x3F96]  }
0x1a: {  	s8 =	sadd.s32 $0xFFFFE003, lr  }
0x1b: {  	s9 =	sadd.s32 $0xFFFFFEF7, lr;
	s5 =	simm.s32 $0xFFFFFFFF;
	p2 =	slt.u32 s8, $0xFFFFF086  }
0x1c: {  	p1 =	slt.u32 s9, $0xF7A;
	s5 =	simm.s32 @!p2 $0x0  }
0x1d: {  	s5 =	simm.s32 @p1 $0x1;
	p0 =	seq.s32 s7, s2  }
0x1e: {  	s7 =	smul.u32 @!p0 $0xF7A, s2;
	p2 =	seq.s32 @!p0 s5, $0x0  }
0x1f: {  	s9 =	smul.u32 $0xF7A, s1;
	s8 =	simm.s32 @!p0 $0x1BF5;
	p2 =	por !p2, p0  }
0x20: {  	[sflag:s8] =	ssyncset.s32 @!p0 $0xFFFFF086;
	s6 =	sadd.s32 @!p0 s3, s7;
	s7 =	simm.s32 @!p0 $0x108  }
0x21: {  	s3 =	sadd.s32 s3, s9;
	s6 =	sadd.s32 @!p0 $0x88, s6;
	s7 =	simm.s32 @p2 $0x1082  }
0x22: {  	[simem:s7], [sflag:s8] =	dma.local @!p0 [hbm:s6], $0xF7A  }
0x23: {  	s9 =	sor.u32 $0xD0000000, s2;
	s6 =	simm.s32 $0x108;
	_ =	swait.ge @!p0 [sflag:s8], $0x0  }
0x24: {  	s3 =	sadd.s32 $0x88, s3;
	s6 =	simm.s32 @!p1 $0x1082;
	[sflag:s4] =	ssyncset.s32 $0xFFFFF086  }
0x25: {  	[simem:s6], [sflag:s4] =	dma.local [hbm:s3], $0xF7A  }
0x26: {  	[smem:$0x3F96] =	sst s1;
	(tag) =	ssettag s2;
	_ =	strace s9  }
0x27: {  	s1 =	sld [smem:$0x3FA6]  }
0x28: {  	s2 =	sld [smem:$0x3FA7]  }
0x29: {  	s4 =	sld [smem:$0x3FA9]  }
0x2a: {  	p0 =	seq.s32 s5, $0x0;
	s5 =	sld [smem:$0x3FAA]  }
0x2b: {  	s6 =	sld [smem:$0x3FAB]  }
0x2c: {  	s7 =	sld [smem:$0x3FAC]  }
0x2d: {  	s3 =	simm.s32 $0x108;
	s8 =	sld [smem:$0x3FAD]  }
0x2e: {  	s3 =	simm.s32 @!p0 $0x1082;
	s9 =	sld [smem:$0x3FAE]  }
0x2f: {  	lr =	sadd.s32 s0, s3;
	s0 =	sld [smem:$0x3FA5]  }
0x30: {  	s3 =	sld [smem:$0x3FA8]  }
0x31: {  	[smem:$0x3FB1] =	sst s10  }
0x32: {  	s10 =	sld [smem:$0x3FAF];
	_ =	sdelay $0x3  }
0x33: {  	p0 =	seq.s32 s10, $0x1;
	s10 =	sld [smem:$0x3FB1];
	_ =	sdelay $0x3  }
0x34: {  	[smem:$0x3FB1] =	sst s10  }
0x35: {  	s10 =	sld [smem:$0x3FB0];
	_ =	sdelay $0x3  }
0x36: {  	p1 =	seq.s32 s10, $0x1;
	s10 =	sld [smem:$0x3FB1];
	_ =	sdelay $0x3  }
0x37: {  	[smem:$0x3FB1] =	sst s10  }
0x38: {  	s10 =	sld [smem:$0x3FB2]  }
0x39: {  	_ = 	snop;
	(pc) =	sbr.ind lr, $3  }
0x3a: {  	_ = 	snop  }
0x3b: {  	_ = 	snop  }
0x3c: {  	p2 =	seq.s32 s10, $0x1;
	s10 =	sld [smem:$0x3FB1]  }
0x3d: {  	_ =	shalt  }
0x3e: {  	_ =	shalt  }
0x3f: {  	_ =	shalt  }
0x40: {  	_ =	shalt  }
0x41: {  	_ =	shalt  }
0x42: {  	_ =	shalt  }
0x43: {  	_ =	shalt  }
0x44: {  	_ =	shalt  }
0x45: {  	_ =	shalt  }
0x46: {  	_ =	shalt  }
0x47: {  	_ =	shalt  }
0x48: {  	_ =	shalt  }
0x49: {  	_ =	shalt  }
0x4a: {  	_ =	shalt  }
0x4b: {  	_ =	shalt  }
0x4c: {  	_ =	shalt  }
0x4d: {  	_ =	shalt  }
0x4e: {  	_ =	shalt  }
0x4f: {  	_ =	shalt  }
0x50: {  	_ =	shalt  }
0x51: {  	_ =	shalt  }
0x52: {  	_ =	shalt  }
0x53: {  	_ =	shalt  }
0x54: {  	_ =	shalt  }
0x55: {  	_ =	shalt  }
0x56: {  	_ =	shalt  }
0x57: {  	_ =	shalt  }
0x58: {  	_ =	shalt  }
0x59: {  	_ =	shalt  }
0x5a: {  	_ =	shalt  }
0x5b: {  	_ =	shalt  }
0x5c: {  	_ =	shalt  }
0x5d: {  	_ =	shalt  }
0x5e: {  	_ =	shalt  }
0x5f: {  	_ =	shalt  }
0x60: {  	_ =	shalt  }
0x61: {  	_ =	shalt  }
0x62: {  	_ =	shalt  }
0x63: {  	_ =	shalt  }
0x64: {  	_ =	shalt  }
0x65: {  	_ =	shalt  }
0x66: {  	_ =	shalt  }
0x67: {  	_ =	shalt  }
0x68: {  	_ =	shalt  }
0x69: {  	_ =	shalt  }
0x6a: {  	_ =	shalt  }
0x6b: {  	_ =	shalt  }
0x6c: {  	_ =	shalt  }
0x6d: {  	_ =	shalt  }
0x6e: {  	_ =	shalt  }
0x6f: {  	_ =	shalt  }
0x70: {  	_ =	shalt  }
0x71: {  	_ =	shalt  }
0x72: {  	_ =	shalt  }
0x73: {  	_ =	shalt  }
0x74: {  	_ =	shalt  }
0x75: {  	_ =	shalt  }
0x76: {  	_ =	shalt  }
0x77: {  	_ =	shalt  }
0x78: {  	_ =	shalt  }
0x79: {  	_ =	shalt  }
0x7a: {  	_ =	shalt  }
0x7b: {  	_ =	shalt  }
0x7c: {  	_ =	shalt  }
0x7d: {  	_ =	shalt  }
0x7e: {  	_ =	shalt  }
0x7f: {  	_ =	shalt  }
0x80: {  	_ =	shalt  }
0x81: {  	_ =	shalt  }
0x82: {  	_ =	shalt  }
0x83: {  	_ =	shalt  }
0x84: {  	_ =	shalt  }
0x85: {  	_ =	shalt  }
0x86: {  	_ =	shalt  }
0x87: {  	_ =	shalt  }
.Lfunc_end0:
.L_simem_size_0:
called_computation.1_lowered:
.L_overlay_start_0:
0x88: {  	s0 =	sld [smem:$0x3FD9]  }
0x89: {  	s1 =	sld [smem:$0x3FFE];
	_ =	sdelay $0x3  }
0x8a: {  	s0 =	sadd.s32 s1, s0  }
0x8b: {  	[smem:$0x3FBD] =	sst s0  }
0x8c: {  	_ = 	snop  }
0x8d: {  	s0 =	sld [smem:$0x3FD0];
	(tm) =	ssettm $0x1  }
0x8e: {  	s16 =	sld [smem:$0x3FFB];
	_ =	sdelay $0x3  }
0x8f: {  	_ =	strace s16  }
0x90: {  	s1 =	sld [smem:$0x3FFC];
	_ =	sdelay $0x3  }
0x91: {  	_ =	strace s1  }
0x92: {  	s1 =	sld [smem:$0x3FFD];
	_ =	sdelay $0x3  }
0x93: {  	_ =	strace s1  }
0x94: {  	_ =	strace $0x8FFFFFFF  }
0x95: {  	s17 =	sld [smem:$0x3FDB];
	_ =	sdelay $0x1  }
0x96: {  	s2 =	simm.s32 $_scs_section_size  }
0x97: {  	s3 =	simm.s32 $_size__tile_overlayer_lowered;
	s4 =	simm.s32 $_tile_overlayer_lowered  }
0x98: {  	s20 =	simm.s32 $0x1BFF;
	s19 =	sshll.u32 s4, $0x1;
	s1 =	sadd.s32 s2, s17  }
0x99: {  	s5 =	simm.s32 $0x0;
	s18 =	sshll.u32 s3, $0x1;
	s3 =	sadd.s32 s19, s1  }
0x9a: {  	[timem:s5], [sflag:s20] =	dma.local [hbm:s3], s18  }
0x9b: {  	_ =	swait.ge [sflag:s20], s18  }
0x9c: {  	s2 =	ssub.s32 $0x0, s18;
	[sflag:s20] =	ssyncset.done $0x0  }
0x9d: {  	[sflag:s20] =	ssyncadd.s32 s2;
	_ =	sdelay $0x1  }
0x9e: {  	s21 =	simm.s32 $0x1B8B  }
0x9f: {  	_ =	swait.ge [sflag:s21], $0x1  }
0xa0: {  	[sflag:s21] =	ssyncset.done $0x0  }
0xa1: {  	s23 =	simm.s32 $0x1B8E;
	s22 =	sld [smem:$0x3FFE];
	[sflag:s21] =	ssyncadd.s32 $0xFFFFFFFF  }
0xa2: {  	s24 =	simm.s32 $execute0_lowered;
	[smem:$0x3FD2] =	sst s23  }
0xa3: {  	s3 =	sshll.u32 s24, $0x1;
	_ =	strace $0x80000049;
	[dreg:$0x1] =	wrdreg $0xFFFFFFFF  }
0xa4: {  	s25 =	simm.s32 $_size_execute0_lowered;
	s1 =	sadd.s32 s1, s3;
	[dreg:$0x0] =	wrdreg $0x0  }
0xa5: {  	s3 =	sshll.u32 s25, $0x1;
	[dreg:$0x2] =	wrdreg s1  }
0xa6: {  	[dreg:$0x3] =	wrdreg s3  }
0xa7: {  	[dreg:$0x4] =	wrdreg $0xC0  }
0xa8: {  	_ =	task [dreg:s5], $0x5FFFF  }
0xa9: {  	[dreg:$0x1] =	wrdreg $0xFFFFFFFF  }
0xaa: {  	[dreg:$0x0] =	wrdreg $0x60  }
0xab: {  	[dreg:$0x2] =	wrdreg s22  }
0xac: {  	[dreg:$0x3] =	wrdreg s0  }
0xad: {  	[dreg:$0x4] =	wrdreg $0x9  }
0xae: {  	_ =	task.clear_ibuf [dreg:s5], $0x5FFFF;
	_ =	strace $0x90000049  }
0xaf: {  	s26 =	simm.s32 $0x9;
	_ =	strace $0x8000004B  }
0xb0: {  	_ =	swait.ge [sflag:s26], $0x1  }
0xb1: {  	[sflag:s26] =	ssyncadd.s32 $0xFFFFFFFF  }
0xb2: {  	_ =	strace $0x9000004B  }
0xb3: {  	_ =	sfence  }
0xb4: {  	s28 =	sld [smem:$0x0];
	_ =	sdelay $0x1  }
0xb5: {  	s29 =	srdreg.scid  }
0xb6: {  	s30 =	sshll.u32 s29, $0xD;
	s31 =	sshrl.u32 s29, $0x2  }
0xb7: {  	s2 =	sand.u32 $0x4000, s30;
	s1 =	sand.u32 $0x1, s29;
	s0 =	sadd.s32 s31, s28  }
0xb8: {  	s1 =	sor.u32 s2, s1;
	s0 =	sshll.u32 s0, $0x11  }
0xb9: {  	s0 =	sor.u32 s0, s1  }
0xba: {  	s0 =	sadd.s32 $0x8F2B, s0  }
0xbb: {  	[sflag:s0] =	ssyncadd.remote.s32 $0x1  }
0xbc: {  	_ =	sfence.sel $0xFFFF  }
0xbd: {  	[dreg:$0x0] =	wrdreg $0xFFFFFFFF;
	(pc) =	sbr.abs _section_cstart, $3  }
0xbe: {  	[dreg:$0x1] =	wrdreg $0xFFFFFFFF  }
0xbf: {  	_ =	task.clear_ibuf [dreg:s5], $0x2FFFF;
	_ =	strace $0x9FFFFFFF  }
0xc0: {  	(tm) =	ssettm $0x7FFFFFFF  }
0xc1: {  	_ =	shalt  }
tec
execute0_lowered:
.L_overlay_start_1:
0x0: {  	(tag) =	ssettag $0x1  }
0x1: {  	s2 =	rddreg [dreg:$0x0]  }
0x2: {  	s3 =	rddreg [dreg:$0x1]  }
0x3: {  	s0 =	rddreg [dreg:$0x2];
	s1 =	stileid.u32  }
0x4: {  	_ =	strace $0x8000004A;
	s6 =	simm.s32 $0x1;
	s8 =	simm.s32 $0x2  }
0x5: {  	s30 =	simm.s32 $0x3;
	s12 =	simm.s32 $0x0;
	s4 =	sshll.u32 s1, $0x4  }
0x6: {  	s9 =	simm.s32 $0x0;
	s10 =	simm.s32 $0x0;
	s7 =	ssub.s32 $0xF70, s4  }
0x7: {  	s5 =	sadd.s32 $0x400, s2;
	[sflag:s6] =	ssyncpa.u1 $0x0;
	s6 =	sshrl.u32 s7, $0x8  }
0x8: {  	[sflag:s8] =	ssyncpa.u1 $0x0;
	s11 =	smov.u32 s4;
	s31 =	sshll.u32 s6, $0x4  }
0x9: {  	[sflag:s30] =	ssyncpa.u1 $0x0;
	s7 =	sadd.s32 $0x2, s6;
	s8 =	sadd.s32 $0x30, s31  }
.LBB2_1:
0xa: {  	p0 =	sgt.u32 s10, s6  }
0xb: {  	s13 =	sxor.u32 @!p0 $0xFFFFFFFF, s9;
	s14 =	sshrl.u32 @!p0 s11, $0x3  }
0xc: {  	s15 =	sand.u32 @!p0 $0x7, s11;
	s13 =	sand.u32 @!p0 $0x10, s13;
	s14 =	sadd.s32 @!p0 s3, s14  }
0xd: {  	[tilespmem:s13], [sflag:$0x2] =	stream.linear.gather @!p0 [hbm4b:s14+s15], $0x10, $0x38;
	[tilespmem:$0x40] =	vst v63  }
0xe: {  	p0 =	seq.s32 s9, $0x0  }
0xf: {  	p1 =	sge.u32 @!p0 s10, s7  }
0x10: {  	p0 =	por p1, p0  }
0x11: {  	s13 =	simm.s32 @!p0 $0x2  }
0x12: {  	_ =	swait.ge @!p0 [sflag:s13], $0x10  }
0x13: {  	[sflag:s13] =	ssyncset.done @!p0 $0x0  }
0x14: {  	[sflag:s13] =	ssyncadd.s32 @!p0 $0xFFFFFFF0;
	s13 =	sand.u32 @!p0 $0x10, s9  }
0x15: {  	(ifvalue) =	ssetifvalue @!p0 $0x7FFFFFFF;
	v0 =	vld.msk @!p0 [tilespmem:s13+$0x0 ss:$0x1], $0xffff;
	_ =	sdelay $0x4  }
0x16: {  	vm0 =	veq.s32 @!p0 v0, $0x80000000;
	v0 =	vand.u32 @!p0 $0xFFF, v0  }
0x17: {  	v1 =	vimm.s32 @!p0 $0x0;
	v0 =	vsel @!p0 vm0, $0xFFFFFFFF, v0  }
0x18: {  	v1 =	vsel @!p0 vm0, $0xFFFFF080, v1;
	v2 =	vand.u32 @!p0 $0xFFFFFF80, v0  }
0x19: {  	v0 =	vand.u32 @!p0 $0x7F, v0;
	v1 =	vadd.s32 @!p0 v1, v2  }
0x1a: {  	v0 =	vor.u32 @!p0 v0, v1;
	_ =	sdelay $0x3  }
0x1b: {  	s14 =	simm.s32 @!p0 $0x0;
	s13 =	sor.u32 @!p0 $0x20, s13;
	(ifvalue) =	ssetifvalue @!p0 $0x7FFFFFFF;
	vm0 =	vmmov @!p0 $0xffff  }
0x1c: {  	[tilespmem:s13], [sflag:$0x1] =	stream.indirect_vreg.gather @!p0 [hbm4b:s2+s14], $0x1, v0, vm0, $0x4038;
	[tilespmem:$0x40] =	vst v63  }
0x1d: {  	s14 =	simm.s32 @!p0 $0x1  }
0x1e: {  	_ =	swait.ge @!p0 [sflag:s14], $0x10  }
0x1f: {  	s15 =	sshrl.u32 @!p0 s12, $0x3;
	[sflag:s14] =	ssyncset.done @!p0 $0x0  }
0x20: {  	s12 =	sand.u32 @!p0 $0x7, s12;
	[sflag:s14] =	ssyncadd.s32 @!p0 $0xFFFFFFF0;
	s14 =	sadd.s32 @!p0 s5, s15  }
0x21: {  	[hbm4b:s14+s12] =	stream.linear.scatter @!p0 [tilespmem:s13], [sflag:$0x3], $0x10, $0x38;
	[tilespmem:$0x40] =	vst v63  }
0x22: {  	s14 =	sadd.s32 $0x100, s11  }
0x23: {  	s9 =	sadd.s32 $0x10, s9;
	p1 =	sgt.s32 s14, $0xF77  }
0x24: {  	s14 =	smov.u32 @p1 s4;
	p1 =	sne.s32 s8, s9  }
.Ltmp0:
0x25: {  	p0 =	slt.u32 s10, $0x2;
	(pc) =	sbr.rel @p1 .LBB2_1-.Ltmp0, $4  }
0x26: {  	s13 =	simm.s32 @!p0 $0x3  }
0x27: {  	_ =	swait.ge @!p0 [sflag:s13], $0x10  }
0x28: {  	s12 =	smov.u32 s11;
	[sflag:s13] =	ssyncset.done @!p0 $0x0  }
0x29: {  	s10 =	sadd.s32 $0x1, s10;
	s11 =	smov.u32 s14;
	[sflag:s13] =	ssyncadd.s32 @!p0 $0xFFFFFFF0  }
0x2a: {  	_ =	sfence.sel $0x180000  }
0x2b: {  	s2 =	simm.s32 $0x2;
	[bflag:$0x0] =	sbarrier.arrive $0xFFFF  }
0x2c: {  	s30 =	simm.s32 $0x3;
	[sflag:s2] =	ssyncpa.u1 $0x1  }
0x2d: {  	s31 =	simm.s32 $0x1;
	[sflag:s30] =	ssyncpa.u1 $0x1  }
0x2e: {  	[sflag:s31] =	ssyncpa.u1 $0x1  }
0x2f: {  	p0 =	sne.s32 s1, $0x0;
	_ =	strace $0x9000004A  }
0x30: {  	s0 =	sadd.s32 @!p0 $0x100000, s0;
	[bflag:$0x2] =	sbarrier.arrive $0xFFFF  }
0x31: {  	[sflag:s0] =	ssyncadd.tile.s32 @!p0 $0x1;
	_ =	shalt  }
.Lfunc_end2:
_tile_overlayer_lowered:
.L_overlay_start_2:
0x32: {  	(tag) =	ssettag $0x2  }
0x33: {  	s0 =	rddreg [dreg:$0x0];
	s2 =	stileid.u32  }
0x34: {  	s1 =	rddreg [dreg:$0x1];
	p0 =	sne.s32 s2, $0x0  }
0x35: {  	s3 =	rddreg [dreg:$0x2];
	[bflag:$0x3] =	sbarrier.arrive $0xFFFF;
	s2 =	simm.s32 @!p0 $0x1C01  }
0x36: {  	[timem:s3], [sflag:s2] =	dma.local @!p0 [hbm:s0], s1  }
0x37: {  	s0 =	simm.s32 @!p0 $0x1  }
0x38: {  	_ =	swait.ge @!p0 [sflag:s0], s1  }
0x39: {  	s1 =	ssub.s32 @!p0 $0x0, s1;
	[sflag:s0] =	ssyncset.done @!p0 $0x0  }
0x3a: {  	[sflag:s0] =	ssyncadd.s32 @!p0 s1  }
0x3b: {  	[bflag:$0x3] =	sbarrier.arrive $0xFFFF  }
0x3c: {  	_ =	shalt  }

// kernel: gather_offload_async_start
scs
__scs_entry_jumppad:
0x0: {  	(pc) =	sbr.rel $0x88, $3  }
0x1: {  	(tag) =	ssettag $0x0;
	lr =	simm.s32 $0x1  }
0x2: {  	[smem:$0x3F96] =	sst lr;
	_ =	strace $0xD0000000  }
0x3: {  	_ = 	snop  }
0x4: {  	_ = 	snop  }
0x5: {  	_ = 	snop  }
0x6: {  	_ = 	snop  }
0x7: {  	_ = 	snop  }
__scs_overlays_trampoline_lowered:
0x8: {  	[smem:$0x3FA5] =	sst s0  }
0x9: {  	[smem:$0x3FA6] =	sst s1  }
0xa: {  	[smem:$0x3FA7] =	sst s2  }
0xb: {  	[smem:$0x3FA8] =	sst s3  }
0xc: {  	[smem:$0x3FA9] =	sst s4  }
0xd: {  	[smem:$0x3FAA] =	sst s5  }
0xe: {  	[smem:$0x3FAB] =	sst s6  }
0xf: {  	[smem:$0x3FAC] =	sst s7  }
0x10: {  	[smem:$0x3FAD] =	sst s8  }
0x11: {  	[smem:$0x3FAE] =	sst s9;
	s0 =	simm.s32 @!p0 $0x0  }
0x12: {  	s1 =	sld [smem:$0x3F94];
	s0 =	simm.s32 @p0 $0x1  }
0x13: {  	[smem:$0x3FAF] =	sst s0;
	s0 =	simm.s32 @!p1 $0x0  }
0x14: {  	s2 =	sld [smem:$0x3F93];
	s0 =	simm.s32 @p1 $0x1  }
0x15: {  	[smem:$0x3FB0] =	sst s0;
	s0 =	simm.s32 @!p2 $0x0  }
0x16: {  	s3 =	sld [smem:$0x3FDB];
	s0 =	simm.s32 @p2 $0x1  }
0x17: {  	s4 =	simm.s32 $0x1BF5;
	[smem:$0x3FB2] =	sst s0  }
0x18: {  	s0 =	sld [smem:$0x3F95];
	_ =	swait.ge [sflag:s4], $0x0  }
0x19: {  	s7 =	sld [smem:$0x3F96]  }
0x1a: {  	s8 =	sadd.s32 $0xFFFFE003, lr  }
0x1b: {  	s9 =	sadd.s32 $0xFFFFFEF7, lr;
	s5 =	simm.s32 $0xFFFFFFFF;
	p2 =	slt.u32 s8, $0xFFFFF086  }
0x1c: {  	p1 =	slt.u32 s9, $0xF7A;
	s5 =	simm.s32 @!p2 $0x0  }
0x1d: {  	s5 =	simm.s32 @p1 $0x1;
	p0 =	seq.s32 s7, s2  }
0x1e: {  	s7 =	smul.u32 @!p0 $0xF7A, s2;
	p2 =	seq.s32 @!p0 s5, $0x0  }
0x1f: {  	s9 =	smul.u32 $0xF7A, s1;
	s8 =	simm.s32 @!p0 $0x1BF5;
	p2 =	por !p2, p0  }
0x20: {  	[sflag:s8] =	ssyncset.s32 @!p0 $0xFFFFF086;
	s6 =	sadd.s32 @!p0 s3, s7;
	s7 =	simm.s32 @!p0 $0x108  }
0x21: {  	s3 =	sadd.s32 s3, s9;
	s6 =	sadd.s32 @!p0 $0x88, s6;
	s7 =	simm.s32 @p2 $0x1082  }
0x22: {  	[simem:s7], [sflag:s8] =	dma.local @!p0 [hbm:s6], $0xF7A  }
0x23: {  	s9 =	sor.u32 $0xD0000000, s2;
	s6 =	simm.s32 $0x108;
	_ =	swait.ge @!p0 [sflag:s8], $0x0  }
0x24: {  	s3 =	sadd.s32 $0x88, s3;
	s6 =	simm.s32 @!p1 $0x1082;
	[sflag:s4] =	ssyncset.s32 $0xFFFFF086  }
0x25: {  	[simem:s6], [sflag:s4] =	dma.local [hbm:s3], $0xF7A  }
0x26: {  	[smem:$0x3F96] =	sst s1;
	(tag) =	ssettag s2;
	_ =	strace s9  }
0x27: {  	s1 =	sld [smem:$0x3FA6]  }
0x28: {  	s2 =	sld [smem:$0x3FA7]  }
0x29: {  	s4 =	sld [smem:$0x3FA9]  }
0x2a: {  	p0 =	seq.s32 s5, $0x0;
	s5 =	sld [smem:$0x3FAA]  }
0x2b: {  	s6 =	sld [smem:$0x3FAB]  }
0x2c: {  	s7 =	sld [smem:$0x3FAC]  }
0x2d: {  	s3 =	simm.s32 $0x108;
	s8 =	sld [smem:$0x3FAD]  }
0x2e: {  	s3 =	simm.s32 @!p0 $0x1082;
	s9 =	sld [smem:$0x3FAE]  }
0x2f: {  	lr =	sadd.s32 s0, s3;
	s0 =	sld [smem:$0x3FA5]  }
0x30: {  	s3 =	sld [smem:$0x3FA8]  }
0x31: {  	[smem:$0x3FB1] =	sst s10  }
0x32: {  	s10 =	sld [smem:$0x3FAF];
	_ =	sdelay $0x3  }
0x33: {  	p0 =	seq.s32 s10, $0x1;
	s10 =	sld [smem:$0x3FB1];
	_ =	sdelay $0x3  }
0x34: {  	[smem:$0x3FB1] =	sst s10  }
0x35: {  	s10 =	sld [smem:$0x3FB0];
	_ =	sdelay $0x3  }
0x36: {  	p1 =	seq.s32 s10, $0x1;
	s10 =	sld [smem:$0x3FB1];
	_ =	sdelay $0x3  }
0x37: {  	[smem:$0x3FB1] =	sst s10  }
0x38: {  	s10 =	sld [smem:$0x3FB2]  }
0x39: {  	_ = 	snop;
	(pc) =	sbr.ind lr, $3  }
0x3a: {  	_ = 	snop  }
0x3b: {  	_ = 	snop  }
0x3c: {  	p2 =	seq.s32 s10, $0x1;
	s10 =	sld [smem:$0x3FB1]  }
0x3d: {  	_ =	shalt  }
0x3e: {  	_ =	shalt  }
0x3f: {  	_ =	shalt  }
0x40: {  	_ =	shalt  }
0x41: {  	_ =	shalt  }
0x42: {  	_ =	shalt  }
0x43: {  	_ =	shalt  }
0x44: {  	_ =	shalt  }
0x45: {  	_ =	shalt  }
0x46: {  	_ =	shalt  }
0x47: {  	_ =	shalt  }
0x48: {  	_ =	shalt  }
0x49: {  	_ =	shalt  }
0x4a: {  	_ =	shalt  }
0x4b: {  	_ =	shalt  }
0x4c: {  	_ =	shalt  }
0x4d: {  	_ =	shalt  }
0x4e: {  	_ =	shalt  }
0x4f: {  	_ =	shalt  }
0x50: {  	_ =	shalt  }
0x51: {  	_ =	shalt  }
0x52: {  	_ =	shalt  }
0x53: {  	_ =	shalt  }
0x54: {  	_ =	shalt  }
0x55: {  	_ =	shalt  }
0x56: {  	_ =	shalt  }
0x57: {  	_ =	shalt  }
0x58: {  	_ =	shalt  }
0x59: {  	_ =	shalt  }
0x5a: {  	_ =	shalt  }
0x5b: {  	_ =	shalt  }
0x5c: {  	_ =	shalt  }
0x5d: {  	_ =	shalt  }
0x5e: {  	_ =	shalt  }
0x5f: {  	_ =	shalt  }
0x60: {  	_ =	shalt  }
0x61: {  	_ =	shalt  }
0x62: {  	_ =	shalt  }
0x63: {  	_ =	shalt  }
0x64: {  	_ =	shalt  }
0x65: {  	_ =	shalt  }
0x66: {  	_ =	shalt  }
0x67: {  	_ =	shalt  }
0x68: {  	_ =	shalt  }
0x69: {  	_ =	shalt  }
0x6a: {  	_ =	shalt  }
0x6b: {  	_ =	shalt  }
0x6c: {  	_ =	shalt  }
0x6d: {  	_ =	shalt  }
0x6e: {  	_ =	shalt  }
0x6f: {  	_ =	shalt  }
0x70: {  	_ =	shalt  }
0x71: {  	_ =	shalt  }
0x72: {  	_ =	shalt  }
0x73: {  	_ =	shalt  }
0x74: {  	_ =	shalt  }
0x75: {  	_ =	shalt  }
0x76: {  	_ =	shalt  }
0x77: {  	_ =	shalt  }
0x78: {  	_ =	shalt  }
0x79: {  	_ =	shalt  }
0x7a: {  	_ =	shalt  }
0x7b: {  	_ =	shalt  }
0x7c: {  	_ =	shalt  }
0x7d: {  	_ =	shalt  }
0x7e: {  	_ =	shalt  }
0x7f: {  	_ =	shalt  }
0x80: {  	_ =	shalt  }
0x81: {  	_ =	shalt  }
0x82: {  	_ =	shalt  }
0x83: {  	_ =	shalt  }
0x84: {  	_ =	shalt  }
0x85: {  	_ =	shalt  }
0x86: {  	_ =	shalt  }
0x87: {  	_ =	shalt  }
.Lfunc_end0:
.L_simem_size_0:
called_computation_lowered:
.L_overlay_start_0:
0x88: {  	s0 =	sld [smem:$0x3FD9]  }
0x89: {  	s1 =	sld [smem:$0x3FFE];
	_ =	sdelay $0x3  }
0x8a: {  	s0 =	sadd.s32 s1, s0  }
0x8b: {  	[smem:$0x3FBD] =	sst s0  }
0x8c: {  	_ = 	snop  }
0x8d: {  	s0 =	sld [smem:$0x3FD0];
	(tm) =	ssettm $0x1  }
0x8e: {  	s16 =	sld [smem:$0x3FFB];
	_ =	sdelay $0x3  }
0x8f: {  	_ =	strace s16  }
0x90: {  	s1 =	sld [smem:$0x3FFC];
	_ =	sdelay $0x3  }
0x91: {  	_ =	strace s1  }
0x92: {  	s1 =	sld [smem:$0x3FFD];
	_ =	sdelay $0x3  }
0x93: {  	_ =	strace s1  }
0x94: {  	_ =	strace $0x8FFFFFFF  }
0x95: {  	s17 =	sld [smem:$0x3FDB];
	_ =	sdelay $0x1  }
0x96: {  	s2 =	simm.s32 $_scs_section_size  }
0x97: {  	s3 =	simm.s32 $_size__tile_overlayer_lowered;
	s4 =	simm.s32 $_tile_overlayer_lowered  }
0x98: {  	s20 =	simm.s32 $0x1BFF;
	s19 =	sshll.u32 s4, $0x1;
	s1 =	sadd.s32 s2, s17  }
0x99: {  	s5 =	simm.s32 $0x0;
	s18 =	sshll.u32 s3, $0x1;
	s3 =	sadd.s32 s19, s1  }
0x9a: {  	[timem:s5], [sflag:s20] =	dma.local [hbm:s3], s18  }
0x9b: {  	_ =	swait.ge [sflag:s20], s18  }
0x9c: {  	s2 =	ssub.s32 $0x0, s18;
	[sflag:s20] =	ssyncset.done $0x0  }
0x9d: {  	[sflag:s20] =	ssyncadd.s32 s2;
	_ =	sdelay $0x1  }
0x9e: {  	s21 =	simm.s32 $0x1B8B  }
0x9f: {  	_ =	swait.ge [sflag:s21], $0x1  }
0xa0: {  	[sflag:s21] =	ssyncset.done $0x0  }
0xa1: {  	s23 =	simm.s32 $0x1B8E;
	s22 =	sld [smem:$0x3FFE];
	[sflag:s21] =	ssyncadd.s32 $0xFFFFFFFF  }
0xa2: {  	s24 =	simm.s32 $execute0_lowered;
	[smem:$0x3FD2] =	sst s23  }
0xa3: {  	s3 =	sshll.u32 s24, $0x1;
	_ =	strace $0x80000046;
	[dreg:$0x1] =	wrdreg $0xFFFFFFFF  }
0xa4: {  	s25 =	simm.s32 $_size_execute0_lowered;
	s1 =	sadd.s32 s1, s3;
	[dreg:$0x0] =	wrdreg $0x0  }
0xa5: {  	s3 =	sshll.u32 s25, $0x1;
	[dreg:$0x2] =	wrdreg s1  }
0xa6: {  	[dreg:$0x3] =	wrdreg s3  }
0xa7: {  	[dreg:$0x4] =	wrdreg $0xC0  }
0xa8: {  	_ =	task [dreg:s5], $0x5FFFF  }
0xa9: {  	[dreg:$0x1] =	wrdreg $0xFFFFFFFF  }
0xaa: {  	[dreg:$0x0] =	wrdreg $0x60  }
0xab: {  	[dreg:$0x2] =	wrdreg s22  }
0xac: {  	[dreg:$0x3] =	wrdreg s0  }
0xad: {  	[dreg:$0x4] =	wrdreg $0x9  }
0xae: {  	_ =	task.clear_ibuf [dreg:s5], $0x5FFFF;
	_ =	strace $0x90000046  }
0xaf: {  	s26 =	simm.s32 $0x9;
	_ =	strace $0x80000048  }
0xb0: {  	_ =	swait.ge [sflag:s26], $0x1  }
0xb1: {  	[sflag:s26] =	ssyncadd.s32 $0xFFFFFFFF  }
0xb2: {  	_ =	strace $0x90000048  }
0xb3: {  	_ =	sfence  }
0xb4: {  	s28 =	sld [smem:$0x0];
	_ =	sdelay $0x1  }
0xb5: {  	s29 =	srdreg.scid  }
0xb6: {  	s30 =	sshll.u32 s29, $0xD;
	s31 =	sshrl.u32 s29, $0x2  }
0xb7: {  	s2 =	sand.u32 $0x4000, s30;
	s1 =	sand.u32 $0x1, s29;
	s0 =	sadd.s32 s31, s28  }
0xb8: {  	s1 =	sor.u32 s2, s1;
	s0 =	sshll.u32 s0, $0x11  }
0xb9: {  	s0 =	sor.u32 s0, s1  }
0xba: {  	s0 =	sadd.s32 $0x8F2B, s0  }
0xbb: {  	[sflag:s0] =	ssyncadd.remote.s32 $0x1  }
0xbc: {  	_ =	sfence.sel $0xFFFF  }
0xbd: {  	[dreg:$0x0] =	wrdreg $0xFFFFFFFF;
	(pc) =	sbr.abs _section_cstart, $3  }
0xbe: {  	[dreg:$0x1] =	wrdreg $0xFFFFFFFF  }
0xbf: {  	_ =	task.clear_ibuf [dreg:s5], $0x2FFFF;
	_ =	strace $0x9FFFFFFF  }
0xc0: {  	(tm) =	ssettm $0x7FFFFFFF  }
0xc1: {  	_ =	shalt  }
tec
execute0_lowered:
.L_overlay_start_1:
0x0: {  	(tag) =	ssettag $0x1  }
0x1: {  	s1 =	stileid.u32  }
0x2: {  	s0 =	simm.s32 $0x1;
	p0 =	sne.s32 s1, $0x0  }
0x3: {  	s2 =	sshll.u32 s1, $0x1;
	s0 =	simm.s32 @!p0 $0x0  }
0x4: {  	s0 =	sor.u32 s0, s2  }
0x5: {  	p1 =	seq.s32 s1, $0x0;
	s1 =	simm.s32 $0x168;
	s0 =	smul.u32 $0x78, s0  }
0x6: {  	s1 =	simm.s32 @!p1 $0xF0  }
0x7: {  	s1 =	sadd.s32 s1, s0  }
0x8: {  	s2 =	smin.u32 s1, $0xF78  }
0x9: {  	s6 =	ssub.s32 s2, s0  }
0xa: {  	p1 =	sgt.s32 s6, $0x0  }
0xb: {  	s6 =	simm.s32 @!p1 $0x0  }
0xc: {  	s8 =	rddreg [dreg:$0x0];
	s31 =	smul.u32 $0x8889, s6  }
0xd: {  	s3 =	rddreg [dreg:$0x1];
	s5 =	simm.s32 $0x1  }
0xe: {  	s10 =	simm.s32 $0x3;
	s12 =	simm.s32 $0x0;
	s7 =	sshrl.u32 s31, $0x16  }
0xf: {  	s11 =	simm.s32 $0x0;
	s4 =	sadd.s32 $0x2400, s8;
	s9 =	smul.u32 $0x78, s7  }
.Ltmp0:
0x10: {  	s8 =	sadd.s32 $0x11C00, s8;
	s1 =	rddreg [dreg:$0x2];
	(pc) =	sbr.rel .LBB2_1-.Ltmp0, $4  }
0x11: {  	_ =	strace $0x80000047;
	p1 =	sne.s32 s6, s9;
	s9 =	simm.s32 $0x1  }
0x12: {  	[sflag:s5] =	ssyncpa.u1 $0x0;
	s6 =	simm.s32 $0x2;
	s9 =	simm.s32 @!p1 $0x0  }
0x13: {  	[sflag:s6] =	ssyncpa.u1 $0x0;
	p1 =	por $0x0, $0x0;
	s7 =	sadd.s32 s7, s9  }
0x14: {  	v0 =	vimm.s32 $0x0;
	vm0 =	vmmov $0xff;
	vm1 =	vcmask $0x3F20;
	[sflag:s10] =	ssyncpa.u1 $0x0;
	s10 =	smov.u32 s0;
	s9 =	sadd.s32 $0x1, s7  }
.LBB2_6:
0x15: {  	[hbm:s16] =	stream.linear.scatter [tilespmem:s13], [sflag:$0x3], $0x400, $0x38;
	[tilespmem:$0x78F0] =	vst v63  }
.LBB2_7:
0x16: {  	s12 =	sadd.s32 $0x78, s10  }
0x17: {  	s14 =	smov.u32 s0;
	p3 =	slt.s32 s12, s2  }
0x18: {  	s14 =	smov.u32 @p3 s12;
	p3 =	sne.s32 s11, s9  }
.Ltmp1:
0x19: {  	p2 =	slt.u32 s11, $0x2;
	(pc) =	sbr.rel @!p3 .LBB2_8-.Ltmp1, $4  }
0x1a: {  	s13 =	simm.s32 @!p2 $0x3  }
0x1b: {  	s15 =	sadd.s32 $0x1, s11;
	_ =	swait.ge @!p2 [sflag:s13], $0x3C00  }
0x1c: {  	p1 =	por !p1, !p1;
	s12 =	smov.u32 s10;
	[sflag:s13] =	ssyncset.done @!p2 $0x0  }
0x1d: {  	s11 =	smov.u32 s15;
	s10 =	smov.u32 s14;
	[sflag:s13] =	ssyncadd.s32 @!p2 $0xFFFFC400  }
.LBB2_1:
0x1e: {  	p2 =	sge.u32 s11, s7  }
0x1f: {  	s13 =	sxor.u32 @!p2 $0xFFFFFFFF, s11  }
0x20: {  	s13 =	sand.u32 @!p2 $0x1, s13  }
0x21: {  	s13 =	smul.u32 @!p2 $0x1E0, s13  }
0x22: {  	s31 =	sadd.s32 $0xFFFFFFFF, s11;
	s14 =	sshrl.u32 @!p2 s10, $0x3  }
0x23: {  	s15 =	sand.u32 @!p2 $0x7, s10;
	s14 =	sadd.s32 @!p2 s3, s14;
	s13 =	sshrl.u32 @!p2 s13, $0x2  }
0x24: {  	[tilespmem:s13], [sflag:$0x2] =	stream.linear.gather @!p2 [hbm4b:s14+s15], $0x78, $0x38;
	[tilespmem:$0x78F0] =	vst v63  }
0x25: {  	p2 =	sge.u32 s31, s7  }
.Ltmp2:
0x26: {  	_ = 	snop;
	(pc) =	sbr.rel @p2 .LBB2_7-.Ltmp2, $1  }
0x27: {  	_ =	sdelay $0x3  }
0x28: {  	s13 =	simm.s32 $0x1  }
0x29: {  	s13 =	simm.s32 @!p1 $0x0  }
0x2a: {  	s14 =	smul.u32 $0x1E0, s13  }
0x2b: {  	_ =	swait.ge [sflag:s6], $0x78  }
0x2c: {  	[sflag:s6] =	ssyncset.done $0x0;
	s16 =	sshrl.u32 s14, $0x2  }
0x2d: {  	[sflag:s6] =	ssyncadd.s32 $0xFFFFFF88;
	s14 =	sadd.s32 $0x0, s16  }
0x2e: {  	v1 =	vld.msk [tilespmem:s14+$0x0 ss:$0x1], $0xffff;
	_ =	sdelay $0x4  }
0x2f: {  	v2 =	vshll.u32 v1, $0x7  }
0x30: {  	vm2 =	veq.s32 v1, $0x80000000;
	v1 =	vand.u32 $0x7FF80, v2  }
0x31: {  	v1 =	vsel vm2, $0xFFFFFF80, v1  }
0x32: {  	v2 =	vsel vm2, $0xFFF84400, v0;
	v3 =	vand.u32 $0xFFFFFC00, v1  }
0x33: {  	v1 =	vand.u32 $0x380, v1;
	v2 =	vadd.s32 v2, v3  }
0x34: {  	v1 =	vor.u32 v1, v2  }
0x35: {  	v1 =	vshrl.u32 v1, $0x3  }
0x36: {  	s13 =	smul.u32 $0xF000, s13  }
0x37: {  	s31 =	sand.u32 $0x1, s11  }
0x38: {  	s15 =	smul.u32 $0x1E0, s31;
	s13 =	sshrl.u32 s13, $0x2  }
0x39: {  	s18 =	smul.u32 $0xF000, s31;
	s13 =	sor.u32 $0xF0, s13  }
0x3a: {  	[tilespmem:s13], [sflag:$0x1] =	stream.indirect_vreg.gather [hbm:s4], $0x80, v1, vm0, $0x38;
	[tilespmem:$0x78F0] =	vst v63  }
0x3b: {  	s17 =	sshrl.u32 s15, $0x2;
	s19 =	sadd.s32 $0x10, s16;
	s14 =	sadd.s32 $0x400, s13  }
0x3c: {  	[tilespmem:s14], [sflag:$0x1] =	stream.indirect_vreg.gather [hbm:s4], $0x80, v1, vm1, $0x38;
	[tilespmem:$0x78F0] =	vst v63  }
0x3d: {  	s15 =	sshrl.u32 s18, $0x2;
	s18 =	smov.u32 s13;
	v1 =	vld.msk [tilespmem:s19+$0x0 ss:$0x1], $0xffff;
	s19 =	simm.s32 $0x80  }
.LBB2_3:
0x3e: {  	p2 =	sne.s32 s19, $0x180;
	_ =	sdelay $0x4  }
0x3f: {  	v2 =	vshll.u32 v1, $0x7  }
0x40: {  	vm2 =	veq.s32 v1, $0x80000000;
	v1 =	vand.u32 $0x7FF80, v2  }
0x41: {  	v1 =	vsel vm2, $0xFFFFFF80, v1  }
0x42: {  	v2 =	vsel vm2, $0xFFF84400, v0;
	v3 =	vand.u32 $0xFFFFFC00, v1  }
0x43: {  	v1 =	vand.u32 $0x380, v1;
	v2 =	vadd.s32 v2, v3  }
0x44: {  	v1 =	vor.u32 v1, v2  }
0x45: {  	v1 =	vshrl.u32 v1, $0x3;
	_ =	sdelay $0x3  }
.Ltmp3:
0x46: {  	s20 =	sshra.s32 s19, $0x2;
	s18 =	sadd.s32 $0x800, s18;
	(pc) =	sbr.rel @p2 .LBB2_3-.Ltmp3, $4  }
0x47: {  	[tilespmem:s18], [sflag:$0x1] =	stream.indirect_vreg.gather [hbm:s4], $0x80, v1, vm0, $0x38;
	[tilespmem:$0x78F0] =	vst v63  }
0x48: {  	s20 =	sadd.s32 s20, s16;
	s21 =	sadd.s32 $0x400, s18  }
0x49: {  	[tilespmem:s21], [sflag:$0x1] =	stream.indirect_vreg.gather [hbm:s4], $0x80, v1, vm1, $0x38;
	[tilespmem:$0x78F0] =	vst v63  }
0x4a: {  	s19 =	sadd.s32 $0x40, s19;
	v1 =	vld.msk [tilespmem:s20+$0x0 ss:$0x1], $0xffff  }
0x4b: {  	_ =	sdelay $0x3  }
0x4c: {  	v2 =	vshll.u32 v1, $0x7  }
0x4d: {  	vm2 =	veq.s32 v1, $0x80000000;
	v1 =	vand.u32 $0x7FF80, v2  }
0x4e: {  	v1 =	vsel vm2, $0xFFFFFF80, v1  }
0x4f: {  	v2 =	vsel vm2, $0xFFF84400, v0;
	v3 =	vand.u32 $0xFFFFFC00, v1  }
0x50: {  	v1 =	vand.u32 $0x380, v1;
	v2 =	vadd.s32 v2, v3  }
0x51: {  	v1 =	vor.u32 v1, v2  }
0x52: {  	v1 =	vshrl.u32 v1, $0x3;
	_ =	sdelay $0x3  }
0x53: {  	s16 =	sadd.s32 $0x800, s18  }
0x54: {  	[tilespmem:s16], [sflag:$0x1] =	stream.indirect_vreg.gather [hbm:s4], $0x80, v1, vm0, $0x38;
	[tilespmem:$0x78F0] =	vst v63  }
0x55: {  	s16 =	sadd.s32 $0x400, s16  }
0x56: {  	[tilespmem:s16], [sflag:$0x1] =	stream.indirect_vreg.gather [hbm:s4], $0x80, v1, vm1, $0x38;
	[tilespmem:$0x78F0] =	vst v63  }
0x57: {  	v1 =	vld.msk [tilespmem:s17+$0x70 ss:$0x1], $0xff;
	_ =	sdelay $0x4  }
0x58: {  	v2 =	vshll.u32 v1, $0x7  }
0x59: {  	vm2 =	veq.s32 v1, $0x80000000;
	v1 =	vand.u32 $0x7FF80, v2  }
0x5a: {  	v1 =	vsel vm2, $0xFFFFFF80, v1  }
0x5b: {  	v2 =	vsel vm2, $0xFFF84400, v0;
	v3 =	vand.u32 $0xFFFFFC00, v1  }
0x5c: {  	v1 =	vand.u32 $0x380, v1;
	v2 =	vadd.s32 v2, v3  }
0x5d: {  	v1 =	vor.u32 v1, v2  }
0x5e: {  	v1 =	vshrl.u32 v1, $0x3;
	_ =	sdelay $0x3  }
0x5f: {  	s15 =	sadd.s32 $0x38F0, s15  }
0x60: {  	[tilespmem:s15], [sflag:$0x1] =	stream.indirect_vreg.gather [hbm:s4], $0x80, v1, vm0, $0x38;
	[tilespmem:$0x78F0] =	vst v63  }
0x61: {  	s12 =	sshll.u32 s12, $0x4;
	_ =	swait.ge [sflag:s5], $0x3C00  }
0x62: {  	s12 =	sadd.s32 s12, s8;
	[sflag:s5] =	ssyncset.done $0x0  }
0x63: {  	s16 =	sadd.s32 $0x0, s12;
	s15 =	simm.s32 $0x80;
	[sflag:s5] =	ssyncadd.s32 $0xFFFFC400  }
.LBB2_5:
0x64: {  	[hbm:s16] =	stream.linear.scatter [tilespmem:s13], [sflag:$0x3], $0x400, $0x38;
	[tilespmem:$0x78F0] =	vst v63  }
0x65: {  	s16 =	smov.u32 s15;
	s13 =	smov.u32 s14;
	p2 =	sne.s32 s15, $0x700  }
.Ltmp4:
0x66: {  	s15 =	sadd.s32 $0x80, s15;
	(pc) =	sbr.rel @p2 .LBB2_5-.Ltmp4, $2  }
0x67: {  	_ =	sdelay $0x2  }
0x68: {  	s14 =	sadd.s32 $0x400, s14;
	s16 =	sadd.s32 s16, s12  }
.Ltmp5:
0x69: {  	_ = 	snop;
	(pc) =	sbr.rel .LBB2_6-.Ltmp5, $1  }
0x6a: {  	_ =	sdelay $0x3  }
.LBB2_8:
0x6b: {  	_ =	sfence.sel $0x180000  }
0x6c: {  	s0 =	simm.s32 $0x2;
	[bflag:$0x0] =	sbarrier.arrive $0xFFFF  }
0x6d: {  	s30 =	simm.s32 $0x3;
	[sflag:s0] =	ssyncpa.u1 $0x1  }
0x6e: {  	s31 =	simm.s32 $0x1;
	[sflag:s30] =	ssyncpa.u1 $0x1  }
0x6f: {  	[sflag:s31] =	ssyncpa.u1 $0x1  }
0x70: {  	_ =	strace $0x90000047  }
0x71: {  	s0 =	sadd.s32 @!p0 $0x100000, s1;
	[bflag:$0x2] =	sbarrier.arrive $0xFFFF  }
0x72: {  	[sflag:s0] =	ssyncadd.tile.s32 @!p0 $0x1;
	_ =	shalt  }
.Lfunc_end2:
_tile_overlayer_lowered:
.L_overlay_start_2:
0x73: {  	(tag) =	ssettag $0x2  }
0x74: {  	s0 =	rddreg [dreg:$0x0];
	s2 =	stileid.u32  }
0x75: {  	s1 =	rddreg [dreg:$0x1];
	p0 =	sne.s32 s2, $0x0  }
0x76: {  	s3 =	rddreg [dreg:$0x2];
	[bflag:$0x3] =	sbarrier.arrive $0xFFFF;
	s2 =	simm.s32 @!p0 $0x1C01  }
0x77: {  	[timem:s3], [sflag:s2] =	dma.local @!p0 [hbm:s0], s1  }
0x78: {  	s0 =	simm.s32 @!p0 $0x1  }
0x79: {  	_ =	swait.ge @!p0 [sflag:s0], s1  }
0x7a: {  	s1 =	ssub.s32 @!p0 $0x0, s1;
	[sflag:s0] =	ssyncset.done @!p0 $0x0  }
0x7b: {  	[sflag:s0] =	ssyncadd.s32 @!p0 s1  }
0x7c: {  	[bflag:$0x3] =	sbarrier.arrive $0xFFFF  }
0x7d: {  	_ =	shalt  }

</sc_bundles>
